<compile_context>
chip_gen: v7x
topology: tpu7x:2x2x1
jax: 0.10.2.dev20260603
libtpu: 0.0.44.dev20260713+nightly
codegen_flags: <defaults>
</compile_context>

<pallas_src>
import dataclasses
import functools

import jax
import jax.numpy as jnp
from jax import lax
from jax.experimental import pallas as pl
from jax.experimental.pallas import tpu as pltpu
from jax.experimental.pallas import tpu_sc as plsc

NUM_USERS = 100000
NUM_ITEMS = 100000
EMB_DIM = 128
BATCH = 16384

NC, NS, L = 2, 16, 16
NW = NC * NS
B_PER_W = BATCH // NW
CHUNK = 64
NCHUNK = B_PER_W // CHUNK
NBUF = 2

_mesh = plsc.VectorSubcoreMesh(core_axis_name="c", subcore_axis_name="s")

_cp = pltpu.CompilerParams()
if "needs_layout_passes" in pltpu.CompilerParams.__dataclass_fields__:
    _cp = dataclasses.replace(_cp, needs_layout_passes=False)


@jax.jit
def _mf_forward(user_index, item_index, user_embedding, item_embedding):
    @functools.partial(
        pl.kernel,
        mesh=_mesh,
        compiler_params=_cp,
        out_type=jax.ShapeDtypeStruct((BATCH,), jnp.float32),
        scratch_types=[
            pltpu.VMEM((B_PER_W,), jnp.int32),
            pltpu.VMEM((B_PER_W,), jnp.int32),
            pltpu.VMEM((NBUF, CHUNK, EMB_DIM), jnp.float32),
            pltpu.VMEM((NBUF, CHUNK, EMB_DIM), jnp.float32),
            pltpu.VMEM((L, L + 1), jnp.float32),
            pltpu.VMEM((B_PER_W,), jnp.float32),
            pltpu.SemaphoreType.DMA((NBUF,)),
        ],
    )
    def k(uidx_hbm, iidx_hbm, utab_hbm, itab_hbm, out_hbm,
          uidx_v, iidx_v, u_v, i_v, acc_v, o_v, semr):
        wid = lax.axis_index("s") * NC + lax.axis_index("c")
        base = wid * B_PER_W
        pltpu.async_copy(uidx_hbm.at[pl.ds(base, B_PER_W)], uidx_v, semr.at[0])
        pltpu.async_copy(iidx_hbm.at[pl.ds(base, B_PER_W)], iidx_v, semr.at[1])
        pltpu.make_async_copy(
            uidx_hbm.at[pl.ds(base, B_PER_W)], uidx_v, semr.at[0]).wait()
        pltpu.make_async_copy(
            iidx_hbm.at[pl.ds(base, B_PER_W)], iidx_v, semr.at[1]).wait()

        def issue(g, sel):
            pltpu.async_copy(
                utab_hbm.at[uidx_v.at[pl.ds(g * CHUNK, CHUNK)]],
                u_v.at[sel], semr.at[sel])
            pltpu.async_copy(
                itab_hbm.at[iidx_v.at[pl.ds(g * CHUNK, CHUNK)]],
                i_v.at[sel], semr.at[sel])

        def drain(g, sel):
            pltpu.make_async_copy(
                utab_hbm.at[uidx_v.at[pl.ds(g * CHUNK, CHUNK)]],
                u_v.at[sel], semr.at[sel]).wait()
            pltpu.make_async_copy(
                itab_hbm.at[iidx_v.at[pl.ds(g * CHUNK, CHUNK)]],
                i_v.at[sel], semr.at[sel]).wait()

        rows = lax.iota(jnp.int32, L)

        for p in range(NBUF - 1):
            issue(p, p)

        @pl.loop(0, NCHUNK)
        def _(g):
            sel = lax.rem(g, NBUF)

            @pl.when(g + (NBUF - 1) < NCHUNK)
            def _():
                issue(g + (NBUF - 1), lax.rem(g + (NBUF - 1), NBUF))

            drain(g, sel)

            @pl.loop(0, CHUNK, step=L)
            def _(r0):
                @pl.loop(0, L, step=2)
                def _(j):
                    for jj in range(2):
                        r = r0 + j + jj
                        acc = (u_v[sel, r, pl.ds(0, L)]
                               * i_v[sel, r, pl.ds(0, L)])
                        for sg in range(1, EMB_DIM // L):
                            acc = acc + (u_v[sel, r, pl.ds(sg * L, L)]
                                         * i_v[sel, r, pl.ds(sg * L, L)])
                        acc_v[j + jj, pl.ds(0, L)] = acc
                cols = [plsc.load_gather(
                            acc_v, [rows, jnp.full((L,), c, jnp.int32)])
                        for c in range(L)]
                while len(cols) > 1:
                    cols = [cols[k] + cols[k + 1]
                            for k in range(0, len(cols) - 1, 2)] + (
                        [cols[-1]] if len(cols) % 2 else [])
                o_v[pl.ds(g * CHUNK + r0, L)] = cols[0]

        pltpu.sync_copy(o_v, out_hbm.at[pl.ds(base, B_PER_W)])

    return k(user_index, item_index, user_embedding, item_embedding)


def kernel(user_index, item_index, user_embedding, item_embedding):
    return _mf_forward(user_index.astype(jnp.int32),
                       item_index.astype(jnp.int32),
                       user_embedding, item_embedding)

# --- scband reference (transcript-rebuilt; emitter-appended) ---
"""Pipeline reference for scband-mf-188978561346 (READ-ONLY COPY).

The authoritative reference and input builder live on the scoring server;
editing this copy changes nothing except your own understanding.
"""

import jax, jax.numpy as jnp
import numpy as np

NUM_USERS = 100000
NUM_ITEMS = 100000
EMB_DIM = 128
BATCH = 16384


def setup_inputs(seed: int = 0) -> dict:
    key = jax.random.key(seed)
    k1, k2, k3, k4 = jax.random.split(key, 4)
    user_index = jax.random.randint(k1, (BATCH,), 0, NUM_USERS, dtype=jnp.int64 if jax.config.jax_enable_x64 else jnp.int32)
    item_index = jax.random.randint(k2, (BATCH,), 0, NUM_ITEMS, dtype=jnp.int64 if jax.config.jax_enable_x64 else jnp.int32)
    # Xavier-normal init: std = sqrt(2 / (fan_in + fan_out))
    std_u = float(np.sqrt(2.0 / (NUM_USERS + EMB_DIM)))
    std_i = float(np.sqrt(2.0 / (NUM_ITEMS + EMB_DIM)))
    user_embedding = jax.random.normal(k3, (NUM_USERS, EMB_DIM), dtype=jnp.float32) * std_u
    item_embedding = jax.random.normal(k4, (NUM_ITEMS, EMB_DIM), dtype=jnp.float32) * std_i
    return {
        "user_index": user_index,
        "item_index": item_index,
        "user_embedding": user_embedding,
        "item_embedding": item_embedding,
    }


def reference(user_index, item_index, user_embedding, item_embedding):
    # mf.out_forward: gather user/item rows, elementwise multiply, sum over emb dim
    user_emb = jnp.take(user_embedding, user_index, axis=0)
    item_emb = jnp.take(item_embedding, item_index, axis=0)
    rating = (user_emb * item_emb).sum(axis=1)
    return rating

if __name__ == "__main__":
    import jax
    _d = setup_inputs()
    print(jax.jit(kernel)(*tuple(_d.values())))

</pallas_src>

<mosaic_0001>
#map = affine_map<(d0, d1) -> (0)>
#map1 = affine_map<(d0, d1) -> (0, 0)>
module attributes {stable_mosaic.version = 14 : i64} {
  func.func @k(%arg0: i32, %arg1: i32, %arg2: memref<16384xi32, #tpu.memory_space<hbm>>, %arg3: memref<16384xi32, #tpu.memory_space<hbm>>, %arg4: memref<100000x128xf32, #tpu.memory_space<hbm>>, %arg5: memref<100000x128xf32, #tpu.memory_space<hbm>>, %arg6: memref<16384xf32, #tpu.memory_space<hbm>>, %arg7: memref<512xi32, #tpu.memory_space<vmem>>, %arg8: memref<512xi32, #tpu.memory_space<vmem>>, %arg9: memref<2x64x128xf32, #tpu.memory_space<vmem>>, %arg10: memref<2x64x128xf32, #tpu.memory_space<vmem>>, %arg11: memref<16x17xf32, #tpu.memory_space<vmem>>, %arg12: memref<512xf32, #tpu.memory_space<vmem>>, %arg13: memref<2x!tpu.dma_semaphore, #tpu.memory_space<semaphore_mem>>) attributes {dimension_semantics = [#tpu.dimension_semantics<core_parallel>, #tpu.dimension_semantics<subcore_parallel>], iteration_bounds = array<i64: 2, 16>, scalar_prefetch = 0 : i64, scratch_operands = 7 : i64, tpu.core_type = #tpu.core_type<sc_vector_subcore>, window_params = [{transform_indices = #map}, {transform_indices = #map}, {transform_indices = #map1}, {transform_indices = #map1}, {transform_indices = #map}]} {
    %mul3A = arith.constant 2 : i32
    %mul3A_0 = arith.muli %arg1, %mul3A : i32
    %add3A = arith.addi %mul3A_0, %arg0 : i32
    %mul3A_1 = arith.constant 512 : i32
    %mul3A_2 = arith.muli %add3A, %mul3A_1 : i32
    %dma_start3A = arith.constant 0 : i32
    %dma_start3A_3 = tpu.memref_slice %arg2[%mul3A_2] : memref<16384xi32, #tpu.memory_space<hbm>> -> memref<512xi32, #tpu.memory_space<hbm>>
    %dma_start3A_4 = tpu.memref_slice %arg13[%dma_start3A] : memref<2x!tpu.dma_semaphore, #tpu.memory_space<semaphore_mem>> -> memref<1x!tpu.dma_semaphore, #tpu.memory_space<semaphore_mem>>
    %dma_start3A_5 = tpu.memref_squeeze %dma_start3A_4 : memref<1x!tpu.dma_semaphore, #tpu.memory_space<semaphore_mem>> -> memref<!tpu.dma_semaphore, #tpu.memory_space<semaphore_mem>>
    %dma_start3A_6 = tpu.memref_slice %arg2[%mul3A_2] : memref<16384xi32, #tpu.memory_space<hbm>> -> memref<512xi32, #tpu.memory_space<hbm>>
    tpu.enqueue_dma source(%dma_start3A_6 : memref<512xi32, #tpu.memory_space<hbm>>) target(%arg7 : memref<512xi32, #tpu.memory_space<vmem>>) target_semaphore(%dma_start3A_5 : memref<!tpu.dma_semaphore, #tpu.memory_space<semaphore_mem>>)
    %dma_start3A_7 = arith.constant 1 : i32
    %dma_start3A_8 = tpu.memref_slice %arg3[%mul3A_2] : memref<16384xi32, #tpu.memory_space<hbm>> -> memref<512xi32, #tpu.memory_space<hbm>>
    %dma_start3A_9 = tpu.memref_slice %arg13[%dma_start3A_7] : memref<2x!tpu.dma_semaphore, #tpu.memory_space<semaphore_mem>> -> memref<1x!tpu.dma_semaphore, #tpu.memory_space<semaphore_mem>>
    %dma_start3A_10 = tpu.memref_squeeze %dma_start3A_9 : memref<1x!tpu.dma_semaphore, #tpu.memory_space<semaphore_mem>> -> memref<!tpu.dma_semaphore, #tpu.memory_space<semaphore_mem>>
    %dma_start3A_11 = tpu.memref_slice %arg3[%mul3A_2] : memref<16384xi32, #tpu.memory_space<hbm>> -> memref<512xi32, #tpu.memory_space<hbm>>
    tpu.enqueue_dma source(%dma_start3A_11 : memref<512xi32, #tpu.memory_space<hbm>>) target(%arg8 : memref<512xi32, #tpu.memory_space<vmem>>) target_semaphore(%dma_start3A_10 : memref<!tpu.dma_semaphore, #tpu.memory_space<semaphore_mem>>)
    %dma_wait3A = arith.constant 0 : i32
    %dma_wait3A_12 = tpu.memref_slice %arg2[%mul3A_2] : memref<16384xi32, #tpu.memory_space<hbm>> -> memref<512xi32, #tpu.memory_space<hbm>>
    %dma_wait3A_13 = tpu.memref_slice %arg13[%dma_wait3A] : memref<2x!tpu.dma_semaphore, #tpu.memory_space<semaphore_mem>> -> memref<1x!tpu.dma_semaphore, #tpu.memory_space<semaphore_mem>>
    %dma_wait3A_14 = tpu.memref_squeeze %dma_wait3A_13 : memref<1x!tpu.dma_semaphore, #tpu.memory_space<semaphore_mem>> -> memref<!tpu.dma_semaphore, #tpu.memory_space<semaphore_mem>>
    %dma_wait3A_15 = tpu.memref_slice %arg2[%mul3A_2] : memref<16384xi32, #tpu.memory_space<hbm>> -> memref<512xi32, #tpu.memory_space<hbm>>
    tpu.wait_dma2 semaphore(%dma_wait3A_14 : memref<!tpu.dma_semaphore, #tpu.memory_space<semaphore_mem>>) src(%dma_wait3A_15 : memref<512xi32, #tpu.memory_space<hbm>>) dst(%arg7 : memref<512xi32, #tpu.memory_space<vmem>>)
    %dma_wait3A_16 = arith.constant 1 : i32
    %dma_wait3A_17 = tpu.memref_slice %arg3[%mul3A_2] : memref<16384xi32, #tpu.memory_space<hbm>> -> memref<512xi32, #tpu.memory_space<hbm>>
    %dma_wait3A_18 = tpu.memref_slice %arg13[%dma_wait3A_16] : memref<2x!tpu.dma_semaphore, #tpu.memory_space<semaphore_mem>> -> memref<1x!tpu.dma_semaphore, #tpu.memory_space<semaphore_mem>>
    %dma_wait3A_19 = tpu.memref_squeeze %dma_wait3A_18 : memref<1x!tpu.dma_semaphore, #tpu.memory_space<semaphore_mem>> -> memref<!tpu.dma_semaphore, #tpu.memory_space<semaphore_mem>>
    %dma_wait3A_20 = tpu.memref_slice %arg3[%mul3A_2] : memref<16384xi32, #tpu.memory_space<hbm>> -> memref<512xi32, #tpu.memory_space<hbm>>
    tpu.wait_dma2 semaphore(%dma_wait3A_19 : memref<!tpu.dma_semaphore, #tpu.memory_space<semaphore_mem>>) src(%dma_wait3A_20 : memref<512xi32, #tpu.memory_space<hbm>>) dst(%arg8 : memref<512xi32, #tpu.memory_space<vmem>>)
    %iota3A = tpu.iota {dimensions = array<i32: 0>} : vector<16xi32>
    %dma_start3A_21 = arith.constant 0 : i32
    %dma_start3A_22 = arith.constant 0 : i32
    %dma_start3A_23 = arith.constant 0 : i32
    %dma_start3A_24 = arith.constant 0 : i32
    %dma_start3A_25 = tpu.memref_slice %arg9[%dma_start3A_21, %dma_start3A_23, %dma_start3A_24] : memref<2x64x128xf32, #tpu.memory_space<vmem>> -> memref<1x64x128xf32, #tpu.memory_space<vmem>>
    %dma_start3A_26 = tpu.memref_squeeze %dma_start3A_25 : memref<1x64x128xf32, #tpu.memory_space<vmem>> -> memref<64x128xf32, #tpu.memory_space<vmem>>
    %dma_start3A_27 = arith.constant 0 : i32
    %dma_start3A_28 = tpu.memref_slice %arg7[%dma_start3A_27] : memref<512xi32, #tpu.memory_space<vmem>> -> memref<64xi32, #tpu.memory_space<vmem>>
    %dma_start3A_29 = arith.constant 0 : i32
    %dma_start3A_30 = arith.constant 0 : i32
    %dma_start3A_31 = tpu.memref_slice %arg4[%dma_start3A_29, %dma_start3A_30] : memref<100000x128xf32, #tpu.memory_space<hbm>> -> memref<100000x128xf32, #tpu.memory_space<hbm>>
    %dma_start3A_32 = tpu.memref_slice %arg13[%dma_start3A_22] : memref<2x!tpu.dma_semaphore, #tpu.memory_space<semaphore_mem>> -> memref<1x!tpu.dma_semaphore, #tpu.memory_space<semaphore_mem>>
    %dma_start3A_33 = tpu.memref_squeeze %dma_start3A_32 : memref<1x!tpu.dma_semaphore, #tpu.memory_space<semaphore_mem>> -> memref<!tpu.dma_semaphore, #tpu.memory_space<semaphore_mem>>
    tpu.enqueue_indirect_dma source(%dma_start3A_31 : memref<100000x128xf32, #tpu.memory_space<hbm>>) target(%dma_start3A_26 : memref<64x128xf32, #tpu.memory_space<vmem>>) offsets(%dma_start3A_28 : memref<64xi32, #tpu.memory_space<vmem>>) semaphore(%dma_start3A_33 : memref<!tpu.dma_semaphore, #tpu.memory_space<semaphore_mem>>)
    %dma_start3A_34 = arith.constant 0 : i32
    %dma_start3A_35 = arith.constant 0 : i32
    %dma_start3A_36 = arith.constant 0 : i32
    %dma_start3A_37 = arith.constant 0 : i32
    %dma_start3A_38 = tpu.memref_slice %arg10[%dma_start3A_34, %dma_start3A_36, %dma_start3A_37] : memref<2x64x128xf32, #tpu.memory_space<vmem>> -> memref<1x64x128xf32, #tpu.memory_space<vmem>>
    %dma_start3A_39 = tpu.memref_squeeze %dma_start3A_38 : memref<1x64x128xf32, #tpu.memory_space<vmem>> -> memref<64x128xf32, #tpu.memory_space<vmem>>
    %dma_start3A_40 = arith.constant 0 : i32
    %dma_start3A_41 = tpu.memref_slice %arg8[%dma_start3A_40] : memref<512xi32, #tpu.memory_space<vmem>> -> memref<64xi32, #tpu.memory_space<vmem>>
    %dma_start3A_42 = arith.constant 0 : i32
    %dma_start3A_43 = arith.constant 0 : i32
    %dma_start3A_44 = tpu.memref_slice %arg5[%dma_start3A_42, %dma_start3A_43] : memref<100000x128xf32, #tpu.memory_space<hbm>> -> memref<100000x128xf32, #tpu.memory_space<hbm>>
    %dma_start3A_45 = tpu.memref_slice %arg13[%dma_start3A_35] : memref<2x!tpu.dma_semaphore, #tpu.memory_space<semaphore_mem>> -> memref<1x!tpu.dma_semaphore, #tpu.memory_space<semaphore_mem>>
    %dma_start3A_46 = tpu.memref_squeeze %dma_start3A_45 : memref<1x!tpu.dma_semaphore, #tpu.memory_space<semaphore_mem>> -> memref<!tpu.dma_semaphore, #tpu.memory_space<semaphore_mem>>
    tpu.enqueue_indirect_dma source(%dma_start3A_44 : memref<100000x128xf32, #tpu.memory_space<hbm>>) target(%dma_start3A_39 : memref<64x128xf32, #tpu.memory_space<vmem>>) offsets(%dma_start3A_41 : memref<64xi32, #tpu.memory_space<vmem>>) semaphore(%dma_start3A_46 : memref<!tpu.dma_semaphore, #tpu.memory_space<semaphore_mem>>)
    %scan3A = arith.constant 0 : i32
    %scan3A_47 = arith.constant 8 : i32
    %scan3A_48 = arith.addi %scan3A, %scan3A_47 : i32
    %scan3A_49 = arith.constant 1 : i32
    scf.for %scan3A_51 = %scan3A to %scan3A_48 step %scan3A_49  : i32 {
      %mul3A_52 = arith.constant 1 : i32
      %mul3A_53 = arith.muli %scan3A_51, %mul3A_52 : i32
      %add3A_54 = arith.constant 0 : i32
      %add3A_55 = arith.addi %add3A_54, %mul3A_53 : i32
      %rem3A = arith.constant 2 : i32
      %rem3A_56 = arith.remsi %add3A_55, %rem3A : i32
      %add3A_57 = arith.constant 1 : i32
      %add3A_58 = arith.addi %add3A_55, %add3A_57 : i32
      %lt3A = arith.constant 8 : i32
      %lt3A_59 = arith.cmpi slt, %add3A_58, %lt3A : i32
      %convert_element_type3A = arith.extui %lt3A_59 : i1 to i32
      %cond3A = arith.constant 0 : i32
      %cond3A_60 = arith.cmpi ne, %convert_element_type3A, %cond3A : i32
      scf.if %cond3A_60 {
        %add3A_90 = arith.constant 1 : i32
        %add3A_91 = arith.addi %add3A_55, %add3A_90 : i32
        %add3A_92 = arith.constant 1 : i32
        %add3A_93 = arith.addi %add3A_55, %add3A_92 : i32
        %rem3A_94 = arith.constant 2 : i32
        %rem3A_95 = arith.remsi %add3A_93, %rem3A_94 : i32
        %mul3A_96 = arith.constant 64 : i32
        %mul3A_97 = arith.muli %add3A_91, %mul3A_96 : i32
        %dma_start3A_98 = arith.constant 0 : i32
        %dma_start3A_99 = arith.constant 0 : i32
        %dma_start3A_100 = tpu.memref_slice %arg9[%rem3A_95, %dma_start3A_98, %dma_start3A_99] : memref<2x64x128xf32, #tpu.memory_space<vmem>> -> memref<1x64x128xf32, #tpu.memory_space<vmem>>
        %dma_start3A_101 = tpu.memref_squeeze %dma_start3A_100 : memref<1x64x128xf32, #tpu.memory_space<vmem>> -> memref<64x128xf32, #tpu.memory_space<vmem>>
        %dma_start3A_102 = tpu.memref_slice %arg7[%mul3A_97] : memref<512xi32, #tpu.memory_space<vmem>> -> memref<64xi32, #tpu.memory_space<vmem>>
        %dma_start3A_103 = arith.constant 0 : i32
        %dma_start3A_104 = arith.constant 0 : i32
        %dma_start3A_105 = tpu.memref_slice %arg4[%dma_start3A_103, %dma_start3A_104] : memref<100000x128xf32, #tpu.memory_space<hbm>> -> memref<100000x128xf32, #tpu.memory_space<hbm>>
        %dma_start3A_106 = tpu.memref_slice %arg13[%rem3A_95] : memref<2x!tpu.dma_semaphore, #tpu.memory_space<semaphore_mem>> -> memref<1x!tpu.dma_semaphore, #tpu.memory_space<semaphore_mem>>
        %dma_start3A_107 = tpu.memref_squeeze %dma_start3A_106 : memref<1x!tpu.dma_semaphore, #tpu.memory_space<semaphore_mem>> -> memref<!tpu.dma_semaphore, #tpu.memory_space<semaphore_mem>>
        tpu.enqueue_indirect_dma source(%dma_start3A_105 : memref<100000x128xf32, #tpu.memory_space<hbm>>) target(%dma_start3A_101 : memref<64x128xf32, #tpu.memory_space<vmem>>) offsets(%dma_start3A_102 : memref<64xi32, #tpu.memory_space<vmem>>) semaphore(%dma_start3A_107 : memref<!tpu.dma_semaphore, #tpu.memory_space<semaphore_mem>>)
        %mul3A_108 = arith.constant 64 : i32
        %mul3A_109 = arith.muli %add3A_91, %mul3A_108 : i32
        %dma_start3A_110 = arith.constant 0 : i32
        %dma_start3A_111 = arith.constant 0 : i32
        %dma_start3A_112 = tpu.memref_slice %arg10[%rem3A_95, %dma_start3A_110, %dma_start3A_111] : memref<2x64x128xf32, #tpu.memory_space<vmem>> -> memref<1x64x128xf32, #tpu.memory_space<vmem>>
        %dma_start3A_113 = tpu.memref_squeeze %dma_start3A_112 : memref<1x64x128xf32, #tpu.memory_space<vmem>> -> memref<64x128xf32, #tpu.memory_space<vmem>>
        %dma_start3A_114 = tpu.memref_slice %arg8[%mul3A_109] : memref<512xi32, #tpu.memory_space<vmem>> -> memref<64xi32, #tpu.memory_space<vmem>>
        %dma_start3A_115 = arith.constant 0 : i32
        %dma_start3A_116 = arith.constant 0 : i32
        %dma_start3A_117 = tpu.memref_slice %arg5[%dma_start3A_115, %dma_start3A_116] : memref<100000x128xf32, #tpu.memory_space<hbm>> -> memref<100000x128xf32, #tpu.memory_space<hbm>>
        %dma_start3A_118 = tpu.memref_slice %arg13[%rem3A_95] : memref<2x!tpu.dma_semaphore, #tpu.memory_space<semaphore_mem>> -> memref<1x!tpu.dma_semaphore, #tpu.memory_space<semaphore_mem>>
        %dma_start3A_119 = tpu.memref_squeeze %dma_start3A_118 : memref<1x!tpu.dma_semaphore, #tpu.memory_space<semaphore_mem>> -> memref<!tpu.dma_semaphore, #tpu.memory_space<semaphore_mem>>
        tpu.enqueue_indirect_dma source(%dma_start3A_117 : memref<100000x128xf32, #tpu.memory_space<hbm>>) target(%dma_start3A_113 : memref<64x128xf32, #tpu.memory_space<vmem>>) offsets(%dma_start3A_114 : memref<64xi32, #tpu.memory_space<vmem>>) semaphore(%dma_start3A_119 : memref<!tpu.dma_semaphore, #tpu.memory_space<semaphore_mem>>)
      } else {
      }
      %mul3A_61 = arith.constant 64 : i32
      %mul3A_62 = arith.muli %add3A_55, %mul3A_61 : i32
      %dma_wait3A_63 = arith.constant 0 : i32
      %dma_wait3A_64 = arith.constant 0 : i32
      %dma_wait3A_65 = tpu.memref_slice %arg9[%rem3A_56, %dma_wait3A_63, %dma_wait3A_64] : memref<2x64x128xf32, #tpu.memory_space<vmem>> -> memref<1x64x128xf32, #tpu.memory_space<vmem>>
      %dma_wait3A_66 = tpu.memref_squeeze %dma_wait3A_65 : memref<1x64x128xf32, #tpu.memory_space<vmem>> -> memref<64x128xf32, #tpu.memory_space<vmem>>
      %dma_wait3A_67 = tpu.memref_slice %arg7[%mul3A_62] : memref<512xi32, #tpu.memory_space<vmem>> -> memref<64xi32, #tpu.memory_space<vmem>>
      %dma_wait3A_68 = arith.constant 0 : i32
      %dma_wait3A_69 = arith.constant 0 : i32
      %dma_wait3A_70 = tpu.memref_slice %arg4[%dma_wait3A_68, %dma_wait3A_69] : memref<100000x128xf32, #tpu.memory_space<hbm>> -> memref<100000x128xf32, #tpu.memory_space<hbm>>
      %dma_wait3A_71 = tpu.memref_slice %arg13[%rem3A_56] : memref<2x!tpu.dma_semaphore, #tpu.memory_space<semaphore_mem>> -> memref<1x!tpu.dma_semaphore, #tpu.memory_space<semaphore_mem>>
      %dma_wait3A_72 = tpu.memref_squeeze %dma_wait3A_71 : memref<1x!tpu.dma_semaphore, #tpu.memory_space<semaphore_mem>> -> memref<!tpu.dma_semaphore, #tpu.memory_space<semaphore_mem>>
      tpu.wait_indirect_dma semaphore(%dma_wait3A_72 : memref<!tpu.dma_semaphore, #tpu.memory_space<semaphore_mem>>) src(%dma_wait3A_70 : memref<100000x128xf32, #tpu.memory_space<hbm>>) dst(%dma_wait3A_66 : memref<64x128xf32, #tpu.memory_space<vmem>>)
      %mul3A_73 = arith.constant 64 : i32
      %mul3A_74 = arith.muli %add3A_55, %mul3A_73 : i32
      %dma_wait3A_75 = arith.constant 0 : i32
      %dma_wait3A_76 = arith.constant 0 : i32
      %dma_wait3A_77 = tpu.memref_slice %arg10[%rem3A_56, %dma_wait3A_75, %dma_wait3A_76] : memref<2x64x128xf32, #tpu.memory_space<vmem>> -> memref<1x64x128xf32, #tpu.memory_space<vmem>>
      %dma_wait3A_78 = tpu.memref_squeeze %dma_wait3A_77 : memref<1x64x128xf32, #tpu.memory_space<vmem>> -> memref<64x128xf32, #tpu.memory_space<vmem>>
      %dma_wait3A_79 = tpu.memref_slice %arg8[%mul3A_74] : memref<512xi32, #tpu.memory_space<vmem>> -> memref<64xi32, #tpu.memory_space<vmem>>
      %dma_wait3A_80 = arith.constant 0 : i32
      %dma_wait3A_81 = arith.constant 0 : i32
      %dma_wait3A_82 = tpu.memref_slice %arg5[%dma_wait3A_80, %dma_wait3A_81] : memref<100000x128xf32, #tpu.memory_space<hbm>> -> memref<100000x128xf32, #tpu.memory_space<hbm>>
      %dma_wait3A_83 = tpu.memref_slice %arg13[%rem3A_56] : memref<2x!tpu.dma_semaphore, #tpu.memory_space<semaphore_mem>> -> memref<1x!tpu.dma_semaphore, #tpu.memory_space<semaphore_mem>>
      %dma_wait3A_84 = tpu.memref_squeeze %dma_wait3A_83 : memref<1x!tpu.dma_semaphore, #tpu.memory_space<semaphore_mem>> -> memref<!tpu.dma_semaphore, #tpu.memory_space<semaphore_mem>>
      tpu.wait_indirect_dma semaphore(%dma_wait3A_84 : memref<!tpu.dma_semaphore, #tpu.memory_space<semaphore_mem>>) src(%dma_wait3A_82 : memref<100000x128xf32, #tpu.memory_space<hbm>>) dst(%dma_wait3A_78 : memref<64x128xf32, #tpu.memory_space<vmem>>)
      %scan3A_85 = arith.constant 0 : i32
      %scan3A_86 = arith.constant 4 : i32
      %scan3A_87 = arith.addi %scan3A_85, %scan3A_86 : i32
      %scan3A_88 = arith.constant 1 : i32
      scf.for %scan3A_90 = %scan3A_85 to %scan3A_87 step %scan3A_88  : i32 {
        %mul3A_91 = arith.constant 16 : i32
        %mul3A_92 = arith.muli %scan3A_90, %mul3A_91 : i32
        %add3A_93 = arith.constant 0 : i32
        %add3A_94 = arith.addi %add3A_93, %mul3A_92 : i32
        %scan3A_95 = arith.constant 0 : i32
        %scan3A_96 = arith.constant 8 : i32
        %scan3A_97 = arith.addi %scan3A_95, %scan3A_96 : i32
        %scan3A_98 = arith.constant 1 : i32
        scf.for %scan3A_165 = %scan3A_95 to %scan3A_97 step %scan3A_98  : i32 {
          %mul3A_166 = arith.constant 2 : i32
          %mul3A_167 = arith.muli %scan3A_165, %mul3A_166 : i32
          %add3A_168 = arith.constant 0 : i32
          %add3A_169 = arith.addi %add3A_168, %mul3A_167 : i32
          %add3A_170 = arith.addi %add3A_94, %add3A_169 : i32
          %add3A_171 = arith.constant 0 : i32
          %add3A_172 = arith.addi %add3A_170, %add3A_171 : i32
          %get3A = arith.index_cast %rem3A_56 : i32 to index
          %get3A_173 = arith.index_cast %add3A_172 : i32 to index
          %get3A_174 = arith.constant 0 : index
          %get3A_175 = tpu.vector_load %arg9[%get3A, %get3A_173, %get3A_174] {strides = array<i32>} : memref<2x64x128xf32, #tpu.memory_space<vmem>>, vector<16xf32>,
          %get3A_176 = arith.index_cast %rem3A_56 : i32 to index
          %get3A_177 = arith.index_cast %add3A_172 : i32 to index
          %get3A_178 = arith.constant 0 : index
          %get3A_179 = tpu.vector_load %arg10[%get3A_176, %get3A_177, %get3A_178] {strides = array<i32>} : memref<2x64x128xf32, #tpu.memory_space<vmem>>, vector<16xf32>,
          %mul3A_180 = arith.mulf %get3A_175, %get3A_179 : vector<16xf32>
          %get3A_181 = arith.index_cast %rem3A_56 : i32 to index
          %get3A_182 = arith.index_cast %add3A_172 : i32 to index
          %get3A_183 = arith.constant 16 : index
          %get3A_184 = tpu.vector_load %arg9[%get3A_181, %get3A_182, %get3A_183] {strides = array<i32>} : memref<2x64x128xf32, #tpu.memory_space<vmem>>, vector<16xf32>,
          %get3A_185 = arith.index_cast %rem3A_56 : i32 to index
          %get3A_186 = arith.index_cast %add3A_172 : i32 to index
          %get3A_187 = arith.constant 16 : index
          %get3A_188 = tpu.vector_load %arg10[%get3A_185, %get3A_186, %get3A_187] {strides = array<i32>} : memref<2x64x128xf32, #tpu.memory_space<vmem>>, vector<16xf32>,
          %mul3A_189 = arith.mulf %get3A_184, %get3A_188 : vector<16xf32>
          %add3A_190 = arith.addf %mul3A_180, %mul3A_189 : vector<16xf32>
          %get3A_191 = arith.index_cast %rem3A_56 : i32 to index
          %get3A_192 = arith.index_cast %add3A_172 : i32 to index
          %get3A_193 = arith.constant 32 : index
          %get3A_194 = tpu.vector_load %arg9[%get3A_191, %get3A_192, %get3A_193] {strides = array<i32>} : memref<2x64x128xf32, #tpu.memory_space<vmem>>, vector<16xf32>,
          %get3A_195 = arith.index_cast %rem3A_56 : i32 to index
          %get3A_196 = arith.index_cast %add3A_172 : i32 to index
          %get3A_197 = arith.constant 32 : index
          %get3A_198 = tpu.vector_load %arg10[%get3A_195, %get3A_196, %get3A_197] {strides = array<i32>} : memref<2x64x128xf32, #tpu.memory_space<vmem>>, vector<16xf32>,
          %mul3A_199 = arith.mulf %get3A_194, %get3A_198 : vector<16xf32>
          %add3A_200 = arith.addf %add3A_190, %mul3A_199 : vector<16xf32>
          %get3A_201 = arith.index_cast %rem3A_56 : i32 to index
          %get3A_202 = arith.index_cast %add3A_172 : i32 to index
          %get3A_203 = arith.constant 48 : index
          %get3A_204 = tpu.vector_load %arg9[%get3A_201, %get3A_202, %get3A_203] {strides = array<i32>} : memref<2x64x128xf32, #tpu.memory_space<vmem>>, vector<16xf32>,
          %get3A_205 = arith.index_cast %rem3A_56 : i32 to index
          %get3A_206 = arith.index_cast %add3A_172 : i32 to index
          %get3A_207 = arith.constant 48 : index
          %get3A_208 = tpu.vector_load %arg10[%get3A_205, %get3A_206, %get3A_207] {strides = array<i32>} : memref<2x64x128xf32, #tpu.memory_space<vmem>>, vector<16xf32>,
          %mul3A_209 = arith.mulf %get3A_204, %get3A_208 : vector<16xf32>
          %add3A_210 = arith.addf %add3A_200, %mul3A_209 : vector<16xf32>
          %get3A_211 = arith.index_cast %rem3A_56 : i32 to index
          %get3A_212 = arith.index_cast %add3A_172 : i32 to index
          %get3A_213 = arith.constant 64 : index
          %get3A_214 = tpu.vector_load %arg9[%get3A_211, %get3A_212, %get3A_213] {strides = array<i32>} : memref<2x64x128xf32, #tpu.memory_space<vmem>>, vector<16xf32>,
          %get3A_215 = arith.index_cast %rem3A_56 : i32 to index
          %get3A_216 = arith.index_cast %add3A_172 : i32 to index
          %get3A_217 = arith.constant 64 : index
          %get3A_218 = tpu.vector_load %arg10[%get3A_215, %get3A_216, %get3A_217] {strides = array<i32>} : memref<2x64x128xf32, #tpu.memory_space<vmem>>, vector<16xf32>,
          %mul3A_219 = arith.mulf %get3A_214, %get3A_218 : vector<16xf32>
          %add3A_220 = arith.addf %add3A_210, %mul3A_219 : vector<16xf32>
          %get3A_221 = arith.index_cast %rem3A_56 : i32 to index
          %get3A_222 = arith.index_cast %add3A_172 : i32 to index
          %get3A_223 = arith.constant 80 : index
          %get3A_224 = tpu.vector_load %arg9[%get3A_221, %get3A_222, %get3A_223] {strides = array<i32>} : memref<2x64x128xf32, #tpu.memory_space<vmem>>, vector<16xf32>,
          %get3A_225 = arith.index_cast %rem3A_56 : i32 to index
          %get3A_226 = arith.index_cast %add3A_172 : i32 to index
          %get3A_227 = arith.constant 80 : index
          %get3A_228 = tpu.vector_load %arg10[%get3A_225, %get3A_226, %get3A_227] {strides = array<i32>} : memref<2x64x128xf32, #tpu.memory_space<vmem>>, vector<16xf32>,
          %mul3A_229 = arith.mulf %get3A_224, %get3A_228 : vector<16xf32>
          %add3A_230 = arith.addf %add3A_220, %mul3A_229 : vector<16xf32>
          %get3A_231 = arith.index_cast %rem3A_56 : i32 to index
          %get3A_232 = arith.index_cast %add3A_172 : i32 to index
          %get3A_233 = arith.constant 96 : index
          %get3A_234 = tpu.vector_load %arg9[%get3A_231, %get3A_232, %get3A_233] {strides = array<i32>} : memref<2x64x128xf32, #tpu.memory_space<vmem>>, vector<16xf32>,
          %get3A_235 = arith.index_cast %rem3A_56 : i32 to index
          %get3A_236 = arith.index_cast %add3A_172 : i32 to index
          %get3A_237 = arith.constant 96 : index
          %get3A_238 = tpu.vector_load %arg10[%get3A_235, %get3A_236, %get3A_237] {strides = array<i32>} : memref<2x64x128xf32, #tpu.memory_space<vmem>>, vector<16xf32>,
          %mul3A_239 = arith.mulf %get3A_234, %get3A_238 : vector<16xf32>
          %add3A_240 = arith.addf %add3A_230, %mul3A_239 : vector<16xf32>
          %get3A_241 = arith.index_cast %rem3A_56 : i32 to index
          %get3A_242 = arith.index_cast %add3A_172 : i32 to index
          %get3A_243 = arith.constant 112 : index
          %get3A_244 = tpu.vector_load %arg9[%get3A_241, %get3A_242, %get3A_243] {strides = array<i32>} : memref<2x64x128xf32, #tpu.memory_space<vmem>>, vector<16xf32>,
          %get3A_245 = arith.index_cast %rem3A_56 : i32 to index
          %get3A_246 = arith.index_cast %add3A_172 : i32 to index
          %get3A_247 = arith.constant 112 : index
          %get3A_248 = tpu.vector_load %arg10[%get3A_245, %get3A_246, %get3A_247] {strides = array<i32>} : memref<2x64x128xf32, #tpu.memory_space<vmem>>, vector<16xf32>,
          %mul3A_249 = arith.mulf %get3A_244, %get3A_248 : vector<16xf32>
          %add3A_250 = arith.addf %add3A_240, %mul3A_249 : vector<16xf32>
          %add3A_251 = arith.constant 0 : i32
          %add3A_252 = arith.addi %add3A_169, %add3A_251 : i32
          %swap3A_253 = arith.index_cast %add3A_252 : i32 to index
          %swap3A_254 = arith.constant 0 : index
          %swap3A_255 = tpu.vector_load %arg11[%swap3A_253, %swap3A_254] {strides = array<i32>} : memref<16x17xf32, #tpu.memory_space<vmem>>, vector<16xf32>,
          tpu.vector_store %arg11[%swap3A_253, %swap3A_254], %add3A_250 {strides = array<i32>} : memref<16x17xf32, #tpu.memory_space<vmem>>, vector<16xf32>,
          %add3A_256 = arith.addi %add3A_94, %add3A_169 : i32
          %add3A_257 = arith.constant 1 : i32
          %add3A_258 = arith.addi %add3A_256, %add3A_257 : i32
          %get3A_259 = arith.index_cast %rem3A_56 : i32 to index
          %get3A_260 = arith.index_cast %add3A_258 : i32 to index
          %get3A_261 = arith.constant 0 : index
          %get3A_262 = tpu.vector_load %arg9[%get3A_259, %get3A_260, %get3A_261] {strides = array<i32>} : memref<2x64x128xf32, #tpu.memory_space<vmem>>, vector<16xf32>,
          %get3A_263 = arith.index_cast %rem3A_56 : i32 to index
          %get3A_264 = arith.index_cast %add3A_258 : i32 to index
          %get3A_265 = arith.constant 0 : index
          %get3A_266 = tpu.vector_load %arg10[%get3A_263, %get3A_264, %get3A_265] {strides = array<i32>} : memref<2x64x128xf32, #tpu.memory_space<vmem>>, vector<16xf32>,
          %mul3A_267 = arith.mulf %get3A_262, %get3A_266 : vector<16xf32>
          %get3A_268 = arith.index_cast %rem3A_56 : i32 to index
          %get3A_269 = arith.index_cast %add3A_258 : i32 to index
          %get3A_270 = arith.constant 16 : index
          %get3A_271 = tpu.vector_load %arg9[%get3A_268, %get3A_269, %get3A_270] {strides = array<i32>} : memref<2x64x128xf32, #tpu.memory_space<vmem>>, vector<16xf32>,
          %get3A_272 = arith.index_cast %rem3A_56 : i32 to index
          %get3A_273 = arith.index_cast %add3A_258 : i32 to index
          %get3A_274 = arith.constant 16 : index
          %get3A_275 = tpu.vector_load %arg10[%get3A_272, %get3A_273, %get3A_274] {strides = array<i32>} : memref<2x64x128xf32, #tpu.memory_space<vmem>>, vector<16xf32>,
          %mul3A_276 = arith.mulf %get3A_271, %get3A_275 : vector<16xf32>
          %add3A_277 = arith.addf %mul3A_267, %mul3A_276 : vector<16xf32>
          %get3A_278 = arith.index_cast %rem3A_56 : i32 to index
          %get3A_279 = arith.index_cast %add3A_258 : i32 to index
          %get3A_280 = arith.constant 32 : index
          %get3A_281 = tpu.vector_load %arg9[%get3A_278, %get3A_279, %get3A_280] {strides = array<i32>} : memref<2x64x128xf32, #tpu.memory_space<vmem>>, vector<16xf32>,
          %get3A_282 = arith.index_cast %rem3A_56 : i32 to index
          %get3A_283 = arith.index_cast %add3A_258 : i32 to index
          %get3A_284 = arith.constant 32 : index
          %get3A_285 = tpu.vector_load %arg10[%get3A_282, %get3A_283, %get3A_284] {strides = array<i32>} : memref<2x64x128xf32, #tpu.memory_space<vmem>>, vector<16xf32>,
          %mul3A_286 = arith.mulf %get3A_281, %get3A_285 : vector<16xf32>
          %add3A_287 = arith.addf %add3A_277, %mul3A_286 : vector<16xf32>
          %get3A_288 = arith.index_cast %rem3A_56 : i32 to index
          %get3A_289 = arith.index_cast %add3A_258 : i32 to index
          %get3A_290 = arith.constant 48 : index
          %get3A_291 = tpu.vector_load %arg9[%get3A_288, %get3A_289, %get3A_290] {strides = array<i32>} : memref<2x64x128xf32, #tpu.memory_space<vmem>>, vector<16xf32>,
          %get3A_292 = arith.index_cast %rem3A_56 : i32 to index
          %get3A_293 = arith.index_cast %add3A_258 : i32 to index
          %get3A_294 = arith.constant 48 : index
          %get3A_295 = tpu.vector_load %arg10[%get3A_292, %get3A_293, %get3A_294] {strides = array<i32>} : memref<2x64x128xf32, #tpu.memory_space<vmem>>, vector<16xf32>,
          %mul3A_296 = arith.mulf %get3A_291, %get3A_295 : vector<16xf32>
          %add3A_297 = arith.addf %add3A_287, %mul3A_296 : vector<16xf32>
          %get3A_298 = arith.index_cast %rem3A_56 : i32 to index
          %get3A_299 = arith.index_cast %add3A_258 : i32 to index
          %get3A_300 = arith.constant 64 : index
          %get3A_301 = tpu.vector_load %arg9[%get3A_298, %get3A_299, %get3A_300] {strides = array<i32>} : memref<2x64x128xf32, #tpu.memory_space<vmem>>, vector<16xf32>,
          %get3A_302 = arith.index_cast %rem3A_56 : i32 to index
          %get3A_303 = arith.index_cast %add3A_258 : i32 to index
          %get3A_304 = arith.constant 64 : index
          %get3A_305 = tpu.vector_load %arg10[%get3A_302, %get3A_303, %get3A_304] {strides = array<i32>} : memref<2x64x128xf32, #tpu.memory_space<vmem>>, vector<16xf32>,
          %mul3A_306 = arith.mulf %get3A_301, %get3A_305 : vector<16xf32>
          %add3A_307 = arith.addf %add3A_297, %mul3A_306 : vector<16xf32>
          %get3A_308 = arith.index_cast %rem3A_56 : i32 to index
          %get3A_309 = arith.index_cast %add3A_258 : i32 to index
          %get3A_310 = arith.constant 80 : index
          %get3A_311 = tpu.vector_load %arg9[%get3A_308, %get3A_309, %get3A_310] {strides = array<i32>} : memref<2x64x128xf32, #tpu.memory_space<vmem>>, vector<16xf32>,
          %get3A_312 = arith.index_cast %rem3A_56 : i32 to index
          %get3A_313 = arith.index_cast %add3A_258 : i32 to index
          %get3A_314 = arith.constant 80 : index
          %get3A_315 = tpu.vector_load %arg10[%get3A_312, %get3A_313, %get3A_314] {strides = array<i32>} : memref<2x64x128xf32, #tpu.memory_space<vmem>>, vector<16xf32>,
          %mul3A_316 = arith.mulf %get3A_311, %get3A_315 : vector<16xf32>
          %add3A_317 = arith.addf %add3A_307, %mul3A_316 : vector<16xf32>
          %get3A_318 = arith.index_cast %rem3A_56 : i32 to index
          %get3A_319 = arith.index_cast %add3A_258 : i32 to index
          %get3A_320 = arith.constant 96 : index
          %get3A_321 = tpu.vector_load %arg9[%get3A_318, %get3A_319, %get3A_320] {strides = array<i32>} : memref<2x64x128xf32, #tpu.memory_space<vmem>>, vector<16xf32>,
          %get3A_322 = arith.index_cast %rem3A_56 : i32 to index
          %get3A_323 = arith.index_cast %add3A_258 : i32 to index
          %get3A_324 = arith.constant 96 : index
          %get3A_325 = tpu.vector_load %arg10[%get3A_322, %get3A_323, %get3A_324] {strides = array<i32>} : memref<2x64x128xf32, #tpu.memory_space<vmem>>, vector<16xf32>,
          %mul3A_326 = arith.mulf %get3A_321, %get3A_325 : vector<16xf32>
          %add3A_327 = arith.addf %add3A_317, %mul3A_326 : vector<16xf32>
          %get3A_328 = arith.index_cast %rem3A_56 : i32 to index
          %get3A_329 = arith.index_cast %add3A_258 : i32 to index
          %get3A_330 = arith.constant 112 : index
          %get3A_331 = tpu.vector_load %arg9[%get3A_328, %get3A_329, %get3A_330] {strides = array<i32>} : memref<2x64x128xf32, #tpu.memory_space<vmem>>, vector<16xf32>,
          %get3A_332 = arith.index_cast %rem3A_56 : i32 to index
          %get3A_333 = arith.index_cast %add3A_258 : i32 to index
          %get3A_334 = arith.constant 112 : index
          %get3A_335 = tpu.vector_load %arg10[%get3A_332, %get3A_333, %get3A_334] {strides = array<i32>} : memref<2x64x128xf32, #tpu.memory_space<vmem>>, vector<16xf32>,
          %mul3A_336 = arith.mulf %get3A_331, %get3A_335 : vector<16xf32>
          %add3A_337 = arith.addf %add3A_327, %mul3A_336 : vector<16xf32>
          %add3A_338 = arith.constant 1 : i32
          %add3A_339 = arith.addi %add3A_169, %add3A_338 : i32
          %swap3A_340 = arith.index_cast %add3A_339 : i32 to index
          %swap3A_341 = arith.constant 0 : index
          %swap3A_342 = tpu.vector_load %arg11[%swap3A_340, %swap3A_341] {strides = array<i32>} : memref<16x17xf32, #tpu.memory_space<vmem>>, vector<16xf32>,
          tpu.vector_store %arg11[%swap3A_340, %swap3A_341], %add3A_337 {strides = array<i32>} : memref<16x17xf32, #tpu.memory_space<vmem>>, vector<16xf32>,
        }
        %scan3A_99 = arith.constant 8 : i32
        %broadcast_in_dim3A = arith.constant 0 : i32
        %broadcast_in_dim3A_100 = vector.broadcast %broadcast_in_dim3A : i32 to vector<16xi32>
        %gather3A = tpu.vector_load_idx %arg11[%iota3A, %broadcast_in_dim3A_100] : memref<16x17xf32, #tpu.memory_space<vmem>>[vector<16xi32>, vector<16xi32>], vector<16xf32>,
        %broadcast_in_dim3A_101 = arith.constant 1 : i32
        %broadcast_in_dim3A_102 = vector.broadcast %broadcast_in_dim3A_101 : i32 to vector<16xi32>
        %gather3A_103 = tpu.vector_load_idx %arg11[%iota3A, %broadcast_in_dim3A_102] : memref<16x17xf32, #tpu.memory_space<vmem>>[vector<16xi32>, vector<16xi32>], vector<16xf32>,
        %broadcast_in_dim3A_104 = arith.constant 2 : i32
        %broadcast_in_dim3A_105 = vector.broadcast %broadcast_in_dim3A_104 : i32 to vector<16xi32>
        %gather3A_106 = tpu.vector_load_idx %arg11[%iota3A, %broadcast_in_dim3A_105] : memref<16x17xf32, #tpu.memory_space<vmem>>[vector<16xi32>, vector<16xi32>], vector<16xf32>,
        %broadcast_in_dim3A_107 = arith.constant 3 : i32
        %broadcast_in_dim3A_108 = vector.broadcast %broadcast_in_dim3A_107 : i32 to vector<16xi32>
        %gather3A_109 = tpu.vector_load_idx %arg11[%iota3A, %broadcast_in_dim3A_108] : memref<16x17xf32, #tpu.memory_space<vmem>>[vector<16xi32>, vector<16xi32>], vector<16xf32>,
        %broadcast_in_dim3A_110 = arith.constant 4 : i32
        %broadcast_in_dim3A_111 = vector.broadcast %broadcast_in_dim3A_110 : i32 to vector<16xi32>
        %gather3A_112 = tpu.vector_load_idx %arg11[%iota3A, %broadcast_in_dim3A_111] : memref<16x17xf32, #tpu.memory_space<vmem>>[vector<16xi32>, vector<16xi32>], vector<16xf32>,
        %broadcast_in_dim3A_113 = arith.constant 5 : i32
        %broadcast_in_dim3A_114 = vector.broadcast %broadcast_in_dim3A_113 : i32 to vector<16xi32>
        %gather3A_115 = tpu.vector_load_idx %arg11[%iota3A, %broadcast_in_dim3A_114] : memref<16x17xf32, #tpu.memory_space<vmem>>[vector<16xi32>, vector<16xi32>], vector<16xf32>,
        %broadcast_in_dim3A_116 = arith.constant 6 : i32
        %broadcast_in_dim3A_117 = vector.broadcast %broadcast_in_dim3A_116 : i32 to vector<16xi32>
        %gather3A_118 = tpu.vector_load_idx %arg11[%iota3A, %broadcast_in_dim3A_117] : memref<16x17xf32, #tpu.memory_space<vmem>>[vector<16xi32>, vector<16xi32>], vector<16xf32>,
        %broadcast_in_dim3A_119 = arith.constant 7 : i32
        %broadcast_in_dim3A_120 = vector.broadcast %broadcast_in_dim3A_119 : i32 to vector<16xi32>
        %gather3A_121 = tpu.vector_load_idx %arg11[%iota3A, %broadcast_in_dim3A_120] : memref<16x17xf32, #tpu.memory_space<vmem>>[vector<16xi32>, vector<16xi32>], vector<16xf32>,
        %broadcast_in_dim3A_122 = arith.constant 8 : i32
        %broadcast_in_dim3A_123 = vector.broadcast %broadcast_in_dim3A_122 : i32 to vector<16xi32>
        %gather3A_124 = tpu.vector_load_idx %arg11[%iota3A, %broadcast_in_dim3A_123] : memref<16x17xf32, #tpu.memory_space<vmem>>[vector<16xi32>, vector<16xi32>], vector<16xf32>,
        %broadcast_in_dim3A_125 = arith.constant 9 : i32
        %broadcast_in_dim3A_126 = vector.broadcast %broadcast_in_dim3A_125 : i32 to vector<16xi32>
        %gather3A_127 = tpu.vector_load_idx %arg11[%iota3A, %broadcast_in_dim3A_126] : memref<16x17xf32, #tpu.memory_space<vmem>>[vector<16xi32>, vector<16xi32>], vector<16xf32>,
        %broadcast_in_dim3A_128 = arith.constant 10 : i32
        %broadcast_in_dim3A_129 = vector.broadcast %broadcast_in_dim3A_128 : i32 to vector<16xi32>
        %gather3A_130 = tpu.vector_load_idx %arg11[%iota3A, %broadcast_in_dim3A_129] : memref<16x17xf32, #tpu.memory_space<vmem>>[vector<16xi32>, vector<16xi32>], vector<16xf32>,
        %broadcast_in_dim3A_131 = arith.constant 11 : i32
        %broadcast_in_dim3A_132 = vector.broadcast %broadcast_in_dim3A_131 : i32 to vector<16xi32>
        %gather3A_133 = tpu.vector_load_idx %arg11[%iota3A, %broadcast_in_dim3A_132] : memref<16x17xf32, #tpu.memory_space<vmem>>[vector<16xi32>, vector<16xi32>], vector<16xf32>,
        %broadcast_in_dim3A_134 = arith.constant 12 : i32
        %broadcast_in_dim3A_135 = vector.broadcast %broadcast_in_dim3A_134 : i32 to vector<16xi32>
        %gather3A_136 = tpu.vector_load_idx %arg11[%iota3A, %broadcast_in_dim3A_135] : memref<16x17xf32, #tpu.memory_space<vmem>>[vector<16xi32>, vector<16xi32>], vector<16xf32>,
        %broadcast_in_dim3A_137 = arith.constant 13 : i32
        %broadcast_in_dim3A_138 = vector.broadcast %broadcast_in_dim3A_137 : i32 to vector<16xi32>
        %gather3A_139 = tpu.vector_load_idx %arg11[%iota3A, %broadcast_in_dim3A_138] : memref<16x17xf32, #tpu.memory_space<vmem>>[vector<16xi32>, vector<16xi32>], vector<16xf32>,
        %broadcast_in_dim3A_140 = arith.constant 14 : i32
        %broadcast_in_dim3A_141 = vector.broadcast %broadcast_in_dim3A_140 : i32 to vector<16xi32>
        %gather3A_142 = tpu.vector_load_idx %arg11[%iota3A, %broadcast_in_dim3A_141] : memref<16x17xf32, #tpu.memory_space<vmem>>[vector<16xi32>, vector<16xi32>], vector<16xf32>,
        %broadcast_in_dim3A_143 = arith.constant 15 : i32
        %broadcast_in_dim3A_144 = vector.broadcast %broadcast_in_dim3A_143 : i32 to vector<16xi32>
        %gather3A_145 = tpu.vector_load_idx %arg11[%iota3A, %broadcast_in_dim3A_144] : memref<16x17xf32, #tpu.memory_space<vmem>>[vector<16xi32>, vector<16xi32>], vector<16xf32>,
        %add3A_146 = arith.addf %gather3A, %gather3A_103 : vector<16xf32>
        %add3A_147 = arith.addf %gather3A_106, %gather3A_109 : vector<16xf32>
        %add3A_148 = arith.addf %gather3A_112, %gather3A_115 : vector<16xf32>
        %add3A_149 = arith.addf %gather3A_118, %gather3A_121 : vector<16xf32>
        %add3A_150 = arith.addf %gather3A_124, %gather3A_127 : vector<16xf32>
        %add3A_151 = arith.addf %gather3A_130, %gather3A_133 : vector<16xf32>
        %add3A_152 = arith.addf %gather3A_136, %gather3A_139 : vector<16xf32>
        %add3A_153 = arith.addf %gather3A_142, %gather3A_145 : vector<16xf32>
        %add3A_154 = arith.addf %add3A_146, %add3A_147 : vector<16xf32>
        %add3A_155 = arith.addf %add3A_148, %add3A_149 : vector<16xf32>
        %add3A_156 = arith.addf %add3A_150, %add3A_151 : vector<16xf32>
        %add3A_157 = arith.addf %add3A_152, %add3A_153 : vector<16xf32>
        %add3A_158 = arith.addf %add3A_154, %add3A_155 : vector<16xf32>
        %add3A_159 = arith.addf %add3A_156, %add3A_157 : vector<16xf32>
        %add3A_160 = arith.addf %add3A_158, %add3A_159 : vector<16xf32>
        %mul3A_161 = arith.constant 64 : i32
        %mul3A_162 = arith.muli %add3A_55, %mul3A_161 : i32
        %add3A_163 = arith.addi %mul3A_162, %add3A_94 : i32
        %swap3A = arith.index_cast %add3A_163 : i32 to index
        %swap3A_164 = tpu.vector_load %arg12[%swap3A] {strides = array<i32>} : memref<512xf32, #tpu.memory_space<vmem>>, vector<16xf32>,
        tpu.vector_store %arg12[%swap3A], %add3A_160 {strides = array<i32>} : memref<512xf32, #tpu.memory_space<vmem>>, vector<16xf32>,
      }
      %scan3A_89 = arith.constant 4 : i32
    }
    %scan3A_50 = arith.constant 8 : i32
    "tpu.region"() ({
      %run_scoped3A = tpu.sem_alloc : memref<!tpu.dma_semaphore, #tpu.memory_space<semaphore_mem>>
      %dma_start3A_51 = tpu.memref_slice %arg6[%mul3A_2] : memref<16384xf32, #tpu.memory_space<hbm>> -> memref<512xf32, #tpu.memory_space<hbm>>
      %dma_start3A_52 = tpu.memref_slice %arg6[%mul3A_2] : memref<16384xf32, #tpu.memory_space<hbm>> -> memref<512xf32, #tpu.memory_space<hbm>>
      tpu.enqueue_dma source(%arg12 : memref<512xf32, #tpu.memory_space<vmem>>) target(%dma_start3A_52 : memref<512xf32, #tpu.memory_space<hbm>>) target_semaphore(%run_scoped3A : memref<!tpu.dma_semaphore, #tpu.memory_space<semaphore_mem>>)
      %dma_wait3A_53 = tpu.memref_slice %arg6[%mul3A_2] : memref<16384xf32, #tpu.memory_space<hbm>> -> memref<512xf32, #tpu.memory_space<hbm>>
      %dma_wait3A_54 = tpu.memref_slice %arg6[%mul3A_2] : memref<16384xf32, #tpu.memory_space<hbm>> -> memref<512xf32, #tpu.memory_space<hbm>>
      tpu.wait_dma2 semaphore(%run_scoped3A : memref<!tpu.dma_semaphore, #tpu.memory_space<semaphore_mem>>) src(%arg12 : memref<512xf32, #tpu.memory_space<vmem>>) dst(%dma_wait3A_54 : memref<512xf32, #tpu.memory_space<hbm>>)
      tpu.yield
    }) : () -> ()
    return
  }
}

</mosaic_0001>

<sc_bundles>
// kernel: _mf_forward.3.cloned.1.call-start
scs
__scs_entry_jumppad:
0x0: {  	(pc) =	sbr.rel $0x88, $3  }
0x1: {  	(tag) =	ssettag $0x0;
	lr =	simm.s32 $0x1  }
0x2: {  	[smem:$0x3F9D] =	sst lr;
	_ =	strace $0xD0000000  }
0x3: {  	_ = 	snop  }
0x4: {  	_ = 	snop  }
0x5: {  	_ = 	snop  }
0x6: {  	_ = 	snop  }
0x7: {  	_ = 	snop  }
__scs_overlays_trampoline_lowered:
0x8: {  	[smem:$0x3FAC] =	sst s0  }
0x9: {  	[smem:$0x3FAD] =	sst s1  }
0xa: {  	[smem:$0x3FAE] =	sst s2  }
0xb: {  	[smem:$0x3FAF] =	sst s3  }
0xc: {  	[smem:$0x3FB0] =	sst s4  }
0xd: {  	[smem:$0x3FB1] =	sst s5  }
0xe: {  	[smem:$0x3FB2] =	sst s6  }
0xf: {  	[smem:$0x3FB3] =	sst s7  }
0x10: {  	[smem:$0x3FB4] =	sst s8  }
0x11: {  	[smem:$0x3FB5] =	sst s9;
	s0 =	simm.s32 @!p0 $0x0  }
0x12: {  	s1 =	sld [smem:$0x3F9B];
	s0 =	simm.s32 @p0 $0x1  }
0x13: {  	[smem:$0x3FB6] =	sst s0;
	s0 =	simm.s32 @!p1 $0x0  }
0x14: {  	s2 =	sld [smem:$0x3F9A];
	s0 =	simm.s32 @p1 $0x1  }
0x15: {  	[smem:$0x3FB7] =	sst s0;
	s0 =	simm.s32 @!p2 $0x0  }
0x16: {  	s3 =	sld [smem:$0x3FDB];
	s0 =	simm.s32 @p2 $0x1  }
0x17: {  	s4 =	simm.s32 $0x1BF5;
	[smem:$0x3FB9] =	sst s0  }
0x18: {  	s0 =	sld [smem:$0x3F9C];
	_ =	swait.ge [sflag:s4], $0x0  }
0x19: {  	s7 =	sld [smem:$0x3F9D]  }
0x1a: {  	s8 =	sadd.s32 $0xFFFFE003, lr  }
0x1b: {  	s9 =	sadd.s32 $0xFFFFFEF7, lr;
	s5 =	simm.s32 $0xFFFFFFFF;
	p2 =	slt.u32 s8, $0xFFFFF086  }
0x1c: {  	p1 =	slt.u32 s9, $0xF7A;
	s5 =	simm.s32 @!p2 $0x0  }
0x1d: {  	s5 =	simm.s32 @p1 $0x1;
	p0 =	seq.s32 s7, s2  }
0x1e: {  	s7 =	smul.u32 @!p0 $0xF7A, s2;
	p2 =	seq.s32 @!p0 s5, $0x0  }
0x1f: {  	s9 =	smul.u32 $0xF7A, s1;
	s8 =	simm.s32 @!p0 $0x1BF5;
	p2 =	por !p2, p0  }
0x20: {  	[sflag:s8] =	ssyncset.s32 @!p0 $0xFFFFF086;
	s6 =	sadd.s32 @!p0 s3, s7;
	s7 =	simm.s32 @!p0 $0x108  }
0x21: {  	s3 =	sadd.s32 s3, s9;
	s6 =	sadd.s32 @!p0 $0x88, s6;
	s7 =	simm.s32 @p2 $0x1082  }
0x22: {  	[simem:s7], [sflag:s8] =	dma.local @!p0 [hbm:s6], $0xF7A  }
0x23: {  	s9 =	sor.u32 $0xD0000000, s2;
	s6 =	simm.s32 $0x108;
	_ =	swait.ge @!p0 [sflag:s8], $0x0  }
0x24: {  	s3 =	sadd.s32 $0x88, s3;
	s6 =	simm.s32 @!p1 $0x1082;
	[sflag:s4] =	ssyncset.s32 $0xFFFFF086  }
0x25: {  	[simem:s6], [sflag:s4] =	dma.local [hbm:s3], $0xF7A  }
0x26: {  	[smem:$0x3F9D] =	sst s1;
	(tag) =	ssettag s2;
	_ =	strace s9  }
0x27: {  	s1 =	sld [smem:$0x3FAD]  }
0x28: {  	s2 =	sld [smem:$0x3FAE]  }
0x29: {  	s4 =	sld [smem:$0x3FB0]  }
0x2a: {  	p0 =	seq.s32 s5, $0x0;
	s5 =	sld [smem:$0x3FB1]  }
0x2b: {  	s6 =	sld [smem:$0x3FB2]  }
0x2c: {  	s7 =	sld [smem:$0x3FB3]  }
0x2d: {  	s3 =	simm.s32 $0x108;
	s8 =	sld [smem:$0x3FB4]  }
0x2e: {  	s3 =	simm.s32 @!p0 $0x1082;
	s9 =	sld [smem:$0x3FB5]  }
0x2f: {  	lr =	sadd.s32 s0, s3;
	s0 =	sld [smem:$0x3FAC]  }
0x30: {  	s3 =	sld [smem:$0x3FAF]  }
0x31: {  	[smem:$0x3FB8] =	sst s10  }
0x32: {  	s10 =	sld [smem:$0x3FB6];
	_ =	sdelay $0x3  }
0x33: {  	p0 =	seq.s32 s10, $0x1;
	s10 =	sld [smem:$0x3FB8];
	_ =	sdelay $0x3  }
0x34: {  	[smem:$0x3FB8] =	sst s10  }
0x35: {  	s10 =	sld [smem:$0x3FB7];
	_ =	sdelay $0x3  }
0x36: {  	p1 =	seq.s32 s10, $0x1;
	s10 =	sld [smem:$0x3FB8];
	_ =	sdelay $0x3  }
0x37: {  	[smem:$0x3FB8] =	sst s10  }
0x38: {  	s10 =	sld [smem:$0x3FB9]  }
0x39: {  	_ = 	snop;
	(pc) =	sbr.ind lr, $3  }
0x3a: {  	_ = 	snop  }
0x3b: {  	_ = 	snop  }
0x3c: {  	p2 =	seq.s32 s10, $0x1;
	s10 =	sld [smem:$0x3FB8]  }
0x3d: {  	_ =	shalt  }
0x3e: {  	_ =	shalt  }
0x3f: {  	_ =	shalt  }
0x40: {  	_ =	shalt  }
0x41: {  	_ =	shalt  }
0x42: {  	_ =	shalt  }
0x43: {  	_ =	shalt  }
0x44: {  	_ =	shalt  }
0x45: {  	_ =	shalt  }
0x46: {  	_ =	shalt  }
0x47: {  	_ =	shalt  }
0x48: {  	_ =	shalt  }
0x49: {  	_ =	shalt  }
0x4a: {  	_ =	shalt  }
0x4b: {  	_ =	shalt  }
0x4c: {  	_ =	shalt  }
0x4d: {  	_ =	shalt  }
0x4e: {  	_ =	shalt  }
0x4f: {  	_ =	shalt  }
0x50: {  	_ =	shalt  }
0x51: {  	_ =	shalt  }
0x52: {  	_ =	shalt  }
0x53: {  	_ =	shalt  }
0x54: {  	_ =	shalt  }
0x55: {  	_ =	shalt  }
0x56: {  	_ =	shalt  }
0x57: {  	_ =	shalt  }
0x58: {  	_ =	shalt  }
0x59: {  	_ =	shalt  }
0x5a: {  	_ =	shalt  }
0x5b: {  	_ =	shalt  }
0x5c: {  	_ =	shalt  }
0x5d: {  	_ =	shalt  }
0x5e: {  	_ =	shalt  }
0x5f: {  	_ =	shalt  }
0x60: {  	_ =	shalt  }
0x61: {  	_ =	shalt  }
0x62: {  	_ =	shalt  }
0x63: {  	_ =	shalt  }
0x64: {  	_ =	shalt  }
0x65: {  	_ =	shalt  }
0x66: {  	_ =	shalt  }
0x67: {  	_ =	shalt  }
0x68: {  	_ =	shalt  }
0x69: {  	_ =	shalt  }
0x6a: {  	_ =	shalt  }
0x6b: {  	_ =	shalt  }
0x6c: {  	_ =	shalt  }
0x6d: {  	_ =	shalt  }
0x6e: {  	_ =	shalt  }
0x6f: {  	_ =	shalt  }
0x70: {  	_ =	shalt  }
0x71: {  	_ =	shalt  }
0x72: {  	_ =	shalt  }
0x73: {  	_ =	shalt  }
0x74: {  	_ =	shalt  }
0x75: {  	_ =	shalt  }
0x76: {  	_ =	shalt  }
0x77: {  	_ =	shalt  }
0x78: {  	_ =	shalt  }
0x79: {  	_ =	shalt  }
0x7a: {  	_ =	shalt  }
0x7b: {  	_ =	shalt  }
0x7c: {  	_ =	shalt  }
0x7d: {  	_ =	shalt  }
0x7e: {  	_ =	shalt  }
0x7f: {  	_ =	shalt  }
0x80: {  	_ =	shalt  }
0x81: {  	_ =	shalt  }
0x82: {  	_ =	shalt  }
0x83: {  	_ =	shalt  }
0x84: {  	_ =	shalt  }
0x85: {  	_ =	shalt  }
0x86: {  	_ =	shalt  }
0x87: {  	_ =	shalt  }
.Lfunc_end0:
.L_simem_size_0:
called_computation_lowered:
.L_overlay_start_0:
0x88: {  	s2 =	sld [smem:$0x3FD9]  }
0x89: {  	s3 =	sld [smem:$0x3FFE];
	_ =	sdelay $0x1  }
0x8a: {  	s1 =	srdreg.scid  }
0x8b: {  	s0 =	sand.u32 $0x1, s1  }
0x8c: {  	s18 =	sshll.u32 s0, $0xA;
	s2 =	sadd.s32 s3, s2  }
0x8d: {  	s2 =	sadd.s32 s2, s18  }
0x8e: {  	[smem:$0x3FC4] =	sst s2  }
0x8f: {  	_ = 	snop  }
0x90: {  	s2 =	sld [smem:$0x3FC9]  }
0x91: {  	s19 =	sld [smem:$0x3FC8]  }
0x92: {  	s4 =	sld [smem:$0x3FC7]  }
0x93: {  	s5 =	sld [smem:$0x3FC6]  }
0x94: {  	s6 =	sld [smem:$0x3FD0];
	(tm) =	ssettm $0x1  }
0x95: {  	s7 =	sld [smem:$0x3FFB];
	_ =	sdelay $0x3  }
0x96: {  	_ =	strace s7  }
0x97: {  	s7 =	sld [smem:$0x3FFC];
	_ =	sdelay $0x3  }
0x98: {  	_ =	strace s7  }
0x99: {  	s7 =	sld [smem:$0x3FFD];
	_ =	sdelay $0x3  }
0x9a: {  	_ =	strace s7  }
0x9b: {  	_ =	strace $0x8FFFFFFF  }
0x9c: {  	s20 =	sld [smem:$0x3FDB];
	_ =	sdelay $0x1  }
0x9d: {  	s8 =	simm.s32 $_scs_section_size  }
0x9e: {  	s9 =	simm.s32 $_size__tile_overlayer_lowered;
	s10 =	simm.s32 $_tile_overlayer_lowered  }
0x9f: {  	s23 =	simm.s32 $0x1BFF;
	s22 =	sshll.u32 s10, $0x1;
	s7 =	sadd.s32 s8, s20  }
0xa0: {  	s11 =	simm.s32 $0x0;
	s21 =	sshll.u32 s9, $0x1;
	s9 =	sadd.s32 s22, s7  }
0xa1: {  	[timem:s11], [sflag:s23] =	dma.local [hbm:s9], s21  }
0xa2: {  	_ =	swait.ge [sflag:s23], s21  }
0xa3: {  	s8 =	ssub.s32 $0x0, s21;
	[sflag:s23] =	ssyncset.done $0x0  }
0xa4: {  	[sflag:s23] =	ssyncadd.s32 s8;
	_ =	sdelay $0x1  }
0xa5: {  	s24 =	simm.s32 $0x1B8B  }
0xa6: {  	_ =	swait.ge [sflag:s24], $0x1  }
0xa7: {  	[sflag:s24] =	ssyncset.done $0x0  }
0xa8: {  	s25 =	simm.s32 $0x1B8E;
	[sflag:s24] =	ssyncadd.s32 $0xFFFFFFFF  }
0xa9: {  	s26 =	simm.s32 $execute0_lowered;
	[smem:$0x3FD2] =	sst s25  }
0xaa: {  	s8 =	sshll.u32 s26, $0x1;
	_ =	strace $0x80000046;
	[dreg:$0x1] =	wrdreg $0xFFFFFFFF  }
0xab: {  	s28 =	simm.s32 $_size_execute0_lowered;
	s7 =	sadd.s32 s7, s8;
	[dreg:$0x0] =	wrdreg $0x0  }
0xac: {  	s8 =	sshll.u32 s28, $0x1;
	[dreg:$0x2] =	wrdreg s7  }
0xad: {  	[dreg:$0x3] =	wrdreg s8  }
0xae: {  	[dreg:$0x4] =	wrdreg $0xC0  }
0xaf: {  	_ =	task [dreg:s11], $0x5FFFF  }
0xb0: {  	[dreg:$0x1] =	wrdreg $0xFFFFFFFF  }
0xb1: {  	[dreg:$0x0] =	wrdreg $0x60  }
0xb2: {  	[dreg:$0x2] =	wrdreg s2  }
0xb3: {  	[dreg:$0x3] =	wrdreg s19  }
0xb4: {  	[dreg:$0x4] =	wrdreg s4  }
0xb5: {  	[dreg:$0x5] =	wrdreg s5  }
0xb6: {  	[dreg:$0x6] =	wrdreg s6  }
0xb7: {  	[dreg:$0x7] =	wrdreg $0x9  }
0xb8: {  	_ =	task.clear_ibuf [dreg:s11], $0x8FFFF;
	_ =	strace $0x90000046  }
0xb9: {  	s29 =	simm.s32 $0x9;
	_ =	strace $0x80000048  }
0xba: {  	_ =	swait.ge [sflag:s29], $0x1  }
0xbb: {  	[sflag:s29] =	ssyncadd.s32 $0xFFFFFFFF  }
0xbc: {  	_ =	strace $0x90000048  }
0xbd: {  	_ =	sfence  }
0xbe: {  	s30 =	sld [smem:$0x0];
	_ =	sdelay $0x2  }
0xbf: {  	s31 =	sshll.u32 s1, $0xD;
	s1 =	sshrl.u32 s1, $0x2  }
0xc0: {  	s3 =	sand.u32 $0x4000, s31;
	s1 =	sadd.s32 s1, s30  }
0xc1: {  	s0 =	sor.u32 s3, s0;
	s1 =	sshll.u32 s1, $0x11  }
0xc2: {  	s0 =	sor.u32 s1, s0  }
0xc3: {  	s0 =	sadd.s32 $0x8F2B, s0  }
0xc4: {  	[sflag:s0] =	ssyncadd.remote.s32 $0x1  }
0xc5: {  	_ =	sfence.sel $0xFFFF  }
0xc6: {  	[dreg:$0x0] =	wrdreg $0xFFFFFFFF;
	(pc) =	sbr.abs _section_cstart, $3  }
0xc7: {  	[dreg:$0x1] =	wrdreg $0xFFFFFFFF  }
0xc8: {  	_ =	task.clear_ibuf [dreg:s11], $0x2FFFF;
	_ =	strace $0x9FFFFFFF  }
0xc9: {  	(tm) =	ssettm $0x7FFFFFFF  }
tec
execute0_lowered:
.L_overlay_start_1:
0x0: {  	(tag) =	ssettag $0x1  }
0x1: {  	s5 =	rddreg [dreg:$0x0]  }
0x2: {  	s6 =	rddreg [dreg:$0x1]  }
0x3: {  	s1 =	rddreg [dreg:$0x2]  }
0x4: {  	s2 =	rddreg [dreg:$0x3]  }
0x5: {  	s7 =	rddreg [dreg:$0x4]  }
0x6: {  	s0 =	rddreg [dreg:$0x5];
	s4 =	simm.s32 $0x0;
	s8 =	srdreg.scid  }
0x7: {  	s3 =	stileid.u32;
	v0 =	vlaneseq.u32;
	s12 =	simm.s32 $0x40;
	s13 =	simm.s32 $0x400  }
0x8: {  	s14 =	simm.s32 $0x4400;
	s15 =	simm.s32 $0x8400;
	s16 =	simm.s32 $0x8C00;
	v0 =	vmul.u32 $0x80, v0  }
0x9: {  	s17 =	simm.s32 $0x3;
	s18 =	simm.s32 $0x0;
	s8 =	sand.u32 $0x1, s8  }
0xa: {  	[smem:$0x7FF] =	sst s4;
	s10 =	sshll.u32 s3, $0x7;
	s9 =	ssub.s32 $0x2, s8;
	v1 =	vor.u32 $0x1, v0;
	v2 =	vor.u32 $0x2, v0;
	v3 =	vor.u32 $0x3, v0  }
0xb: {  	s8 =	sshll.u32 s8, $0x6;
	_ =	strace $0x80000047;
	s11 =	sshrl.u32 s9, $0x1;
	v4 =	vor.u32 $0x4, v0;
	v5 =	vor.u32 $0x5, v0;
	v6 =	vor.u32 $0x6, v0  }
0xc: {  	s8 =	sor.u32 s8, s10;
	s10 =	simm.s32 $0x1;
	v7 =	vor.u32 $0x7, v0;
	v8 =	vor.u32 $0x8, v0;
	v9 =	vor.u32 $0x9, v0;
	s9 =	ssub.s32 s9, s11  }
0xd: {  	v10 =	vor.u32 $0xA, v0;
	v11 =	vor.u32 $0xB, v0;
	v12 =	vor.u32 $0xC, v0;
	s5 =	sadd.s32 s5, s8;
	s6 =	sadd.s32 s6, s8;
	s7 =	sadd.s32 s7, s8  }
0xe: {  	v13 =	vor.u32 $0xD, v0;
	v14 =	vor.u32 $0xE, v0;
	v15 =	vor.u32 $0xF, v0;
	s11 =	simm.s32 $0x2;
	s8 =	smax.u32 s9, $0x1;
	s9 =	simm.s32 $0x200  }
.LBB2_1:
0xf: {  	[tilespmem:s4], [sflag:$0x1] =	stream.linear.gather [hbm4b:s5+s4], $0x200, $0x38;
	[tilespmem:$0x8E00] =	vst v63  }
0x10: {  	_ = 	snop  }
0x11: {  	[tilespmem:s9], [sflag:$0x2] =	stream.linear.gather [hbm4b:s6+s4], $0x200, $0x38;
	[tilespmem:$0x8E00] =	vst v63  }
0x12: {  	_ =	swait.ge [sflag:s10], $0x200  }
0x13: {  	[sflag:s10] =	ssyncset.done $0x0  }
0x14: {  	[sflag:s10] =	ssyncadd.s32 $0xFFFFFE00  }
0x15: {  	_ =	swait.ge [sflag:s11], $0x200  }
0x16: {  	[sflag:s11] =	ssyncset.done $0x0  }
0x17: {  	[sflag:s11] =	ssyncadd.s32 $0xFFFFFE00  }
0x18: {  	[tilespmem:s13], [sflag:$0x1] =	stream.indirect.gather [hbm4b:s1+s12], $0x80, s4, s12, $0xb8;
	[tilespmem:$0x8E00] =	vst v63  }
0x19: {  	p0 =	por $0x0, $0x0;
	s19 =	simm.s32 $0x0  }
0x1a: {  	[tilespmem:s14], [sflag:$0x1] =	stream.indirect.gather [hbm4b:s2+s12], $0x80, s9, s12, $0xb8;
	[tilespmem:$0x8E00] =	vst v63  }
.LBB2_3:
0x1b: {  	s20 =	smov.u32 s19  }
0x1c: {  	s19 =	sadd.s32 $0x1, s19;
	p1 =	seq.s32 s20, $0x7  }
0x1d: {  	s21 =	sand.u32 @!p1 $0x1, s19  }
0x1e: {  	s29 =	sand.u32 $0x1, s20;
	s22 =	sshll.u32 @!p1 s19, $0x6;
	s23 =	sshll.u32 @!p1 s21, $0xD  }
0x1f: {  	s25 =	simm.s32 @!p1 $0x40;
	s21 =	sadd.s32 @!p1 $0x1, s21;
	s24 =	sor.u32 @!p1 $0x400, s23  }
0x20: {  	[tilespmem:s24], [sflag:s21] =	stream.indirect.gather @!p1 [hbm4b:s1+s25], $0x80, s22, s25, $0xb8;
	[tilespmem:$0x8E00] =	vst v63  }
0x21: {  	s30 =	sadd.s32 $0x1, s29;
	s23 =	sor.u32 @!p1 $0x4400, s23;
	s22 =	sadd.s32 @!p1 $0x200, s22  }
0x22: {  	[tilespmem:s23], [sflag:s21] =	stream.indirect.gather @!p1 [hbm4b:s2+s25], $0x80, s22, s25, $0xb8;
	[tilespmem:$0x8E00] =	vst v63  }
0x23: {  	_ =	swait.ge [sflag:s30], $0x2000  }
0x24: {  	s20 =	sshll.u32 s20, $0x6;
	[sflag:s30] =	ssyncset.done $0x0  }
0x25: {  	s31 =	sand.u32 $0x3FFFFFC0, s20;
	s21 =	simm.s32 $0x1;
	[sflag:s30] =	ssyncadd.s32 $0xFFFFE000  }
0x26: {  	s23 =	sadd.s32 $0x8C00, s31;
	s21 =	simm.s32 @!p0 $0x0;
	_ =	swait.ge [sflag:s30], $0x2000  }
0x27: {  	s22 =	simm.s32 $0x0;
	s21 =	sshll.u32 s21, $0xD;
	[sflag:s30] =	ssyncset.done $0x0  }
0x28: {  	v16 =	vmov s23;
	s20 =	sor.u32 $0x480, s21;
	s21 =	sor.u32 $0x4480, s21;
	[sflag:s30] =	ssyncadd.s32 $0xFFFFE000  }
.LBB2_4:
0x29: {  	v18 =	vmov s20;
	_ =	sdelay $0x1  }
0x2a: {  	v17 =	vmov s21;
	_ =	sdelay $0x1  }
0x2b: {  	s23 =	simm.s32 $0x0  }
0x2c: {  	v19 =	vld.idx.msk [tilespmem:v18+s23+$0xFFFFFF80 ss:$0x1], $0xffff  }
0x2d: {  	v21 =	vld.idx.msk [tilespmem:v18+s23+$0xFFFFFF90 ss:$0x1], $0xffff  }
0x2e: {  	v23 =	vld.idx.msk [tilespmem:v17+s23+$0xFFFFFF90 ss:$0x1], $0xffff  }
0x2f: {  	v22 =	vld.idx.msk [tilespmem:v17+s23+$0xFFFFFF80 ss:$0x1], $0xffff  }
0x30: {  	s24 =	simm.s32 $0x400;
	v20 =	vld.idx.msk [tilespmem:v18+s23+$0xFFFFFFA0 ss:$0x1], $0xffff  }
.LBB2_5:
0x31: {  	p1 =	sne.s32 s24, $0x1C00;
	v24 =	vld.idx.msk [tilespmem:v17+s23+$0xFFFFFFA0 ss:$0x1], $0xffff;
	s25 =	smov.u32 s24;
	s24 =	sadd.s32 $0x400, s24  }
0x32: {  	v25 =	vld.idx.msk [tilespmem:v17+s23+$0xFFFFFFB0 ss:$0x1], $0xffff  }
0x33: {  	v26 =	vld.idx.msk [tilespmem:v18+s23+$0xFFFFFFB0 ss:$0x1], $0xffff  }
0x34: {  	v21 =	vmul.f32 v23, v21;
	v23 =	vld.idx.msk [tilespmem:v17+s23+$0xFFFFFFC0 ss:$0x1], $0xffff  }
0x35: {  	v19 =	vmul.f32 v22, v19;
	v22 =	vld.idx.msk [tilespmem:v18+s23+$0xFFFFFFC0 ss:$0x1], $0xffff  }
0x36: {  	v27 =	vld.idx.msk [tilespmem:v17+s23+$0xFFFFFFD0 ss:$0x1], $0xffff  }
0x37: {  	s25 =	sshra.s32 s25, $0x2;
	v19 =	vadd.f32 v21, v19;
	v20 =	vmul.f32 v24, v20;
	v21 =	vld.idx.msk [tilespmem:v18+s23+$0xFFFFFFD0 ss:$0x1], $0xffff  }
0x38: {  	v24 =	vld.idx.msk [tilespmem:v17+s23+$0xFFFFFFE0 ss:$0x1], $0xffff  }
0x39: {  	v19 =	vadd.f32 v20, v19;
	v20 =	vmul.f32 v25, v26;
	v25 =	vld.idx.msk [tilespmem:v18+s23+$0xFFFFFFE0 ss:$0x1], $0xffff  }
0x3a: {  	v26 =	vld.idx.msk [tilespmem:v17+s23+$0xFFFFFFF0 ss:$0x1], $0xffff  }
0x3b: {  	v19 =	vadd.f32 v20, v19;
	v20 =	vmul.f32 v23, v22;
	v22 =	vld.idx.msk [tilespmem:v18+s23+$0xFFFFFFF0 ss:$0x1], $0xffff;
	_ =	sdelay $0x1  }
0x3c: {  	v19 =	vadd.f32 v20, v19;
	v20 =	vmul.f32 v27, v21;
	_ =	sdelay $0x1  }
0x3d: {  	v19 =	vadd.f32 v20, v19;
	v20 =	vmul.f32 v24, v25;
	_ =	sdelay $0x1  }
0x3e: {  	v19 =	vadd.f32 v20, v19;
	v20 =	vmul.f32 v26, v22;
	_ =	sdelay $0x1  }
0x3f: {  	v19 =	vadd.f32 v20, v19;
	_ =	sdelay $0x1  }
0x40: {  	[tilespmem:s23+$0x8400] =	vst v19  }
0x41: {  	v19 =	vld.idx.msk [tilespmem:v18+s23+$0x0 ss:$0x1], $0xffff  }
0x42: {  	v20 =	vld.idx.msk [tilespmem:v17+s23+$0x0 ss:$0x1], $0xffff  }
0x43: {  	v21 =	vld.idx.msk [tilespmem:v17+s23+$0x10 ss:$0x1], $0xffff  }
0x44: {  	v22 =	vld.idx.msk [tilespmem:v18+s23+$0x10 ss:$0x1], $0xffff  }
0x45: {  	v23 =	vld.idx.msk [tilespmem:v18+s23+$0x20 ss:$0x1], $0xffff  }
0x46: {  	v24 =	vld.idx.msk [tilespmem:v17+s23+$0x20 ss:$0x1], $0xffff  }
0x47: {  	v25 =	vld.idx.msk [tilespmem:v18+s23+$0x30 ss:$0x1], $0xffff  }
0x48: {  	v19 =	vmul.f32 v20, v19;
	v20 =	vld.idx.msk [tilespmem:v17+s23+$0x30 ss:$0x1], $0xffff  }
0x49: {  	v26 =	vld.idx.msk [tilespmem:v18+s23+$0x40 ss:$0x1], $0xffff  }
0x4a: {  	v21 =	vmul.f32 v21, v22;
	v22 =	vld.idx.msk [tilespmem:v17+s23+$0x40 ss:$0x1], $0xffff  }
0x4b: {  	v27 =	vld.idx.msk [tilespmem:v18+s23+$0x50 ss:$0x1], $0xffff  }
0x4c: {  	v19 =	vadd.f32 v21, v19;
	v21 =	vmul.f32 v24, v23;
	v23 =	vld.idx.msk [tilespmem:v17+s23+$0x50 ss:$0x1], $0xffff  }
0x4d: {  	v24 =	vld.idx.msk [tilespmem:v18+s23+$0x60 ss:$0x1], $0xffff  }
0x4e: {  	v19 =	vadd.f32 v21, v19;
	v20 =	vmul.f32 v20, v25;
	v21 =	vld.idx.msk [tilespmem:v17+s23+$0x60 ss:$0x1], $0xffff  }
0x4f: {  	v25 =	vld.idx.msk [tilespmem:v18+s23+$0x70 ss:$0x1], $0xffff  }
0x50: {  	v19 =	vadd.f32 v20, v19;
	v20 =	vmul.f32 v22, v26;
	v22 =	vld.idx.msk [tilespmem:v17+s23+$0x70 ss:$0x1], $0xffff;
	_ =	sdelay $0x1  }
0x51: {  	v19 =	vadd.f32 v20, v19;
	v20 =	vmul.f32 v23, v27;
	_ =	sdelay $0x1  }
0x52: {  	v19 =	vadd.f32 v20, v19;
	v20 =	vmul.f32 v21, v24;
	_ =	sdelay $0x1  }
0x53: {  	v19 =	vadd.f32 v20, v19;
	v20 =	vmul.f32 v22, v25;
	_ =	sdelay $0x1  }
0x54: {  	v19 =	vadd.f32 v20, v19;
	_ =	sdelay $0x1  }
0x55: {  	[tilespmem:s23+$0x8480] =	vst v19;
	s23 =	smov.u32 s25  }
.Ltmp0:
0x56: {  	v19 =	vld.idx.msk [tilespmem:v18+s23+$0xFFFFFF80 ss:$0x1], $0xffff;
	(pc) =	sbr.rel @p1 .LBB2_5-.Ltmp0, $4  }
0x57: {  	v21 =	vld.idx.msk [tilespmem:v18+s23+$0xFFFFFF90 ss:$0x1], $0xffff  }
0x58: {  	v23 =	vld.idx.msk [tilespmem:v17+s23+$0xFFFFFF90 ss:$0x1], $0xffff  }
0x59: {  	v22 =	vld.idx.msk [tilespmem:v17+s23+$0xFFFFFF80 ss:$0x1], $0xffff  }
0x5a: {  	v20 =	vld.idx.msk [tilespmem:v18+s23+$0xFFFFFFA0 ss:$0x1], $0xffff  }
0x5b: {  	_ =	sdelay $0x3  }
0x5c: {  	v24 =	vld.idx.msk [tilespmem:v17+s23+$0xFFFFFFA0 ss:$0x1], $0xffff  }
0x5d: {  	v25 =	vld.idx.msk [tilespmem:v17+s23+$0xFFFFFFB0 ss:$0x1], $0xffff  }
0x5e: {  	v26 =	vld.idx.msk [tilespmem:v18+s23+$0xFFFFFFB0 ss:$0x1], $0xffff  }
0x5f: {  	v57 =	vld.idx.msk [tilespmem:v17+s23+$0xFFFFFFC0 ss:$0x1], $0xffff;
	v21 =	vmul.f32 v23, v21;
	v19 =	vmul.f32 v22, v19  }
0x60: {  	v58 =	vld.idx.msk [tilespmem:v18+s23+$0xFFFFFFC0 ss:$0x1], $0xffff  }
0x61: {  	v27 =	vld.idx.msk [tilespmem:v17+s23+$0xFFFFFFD0 ss:$0x1], $0xffff;
	v19 =	vadd.f32 v21, v19;
	v20 =	vmul.f32 v24, v20  }
0x62: {  	v59 =	vld.idx.msk [tilespmem:v18+s23+$0xFFFFFFD0 ss:$0x1], $0xffff  }
0x63: {  	v60 =	vld.idx.msk [tilespmem:v17+s23+$0xFFFFFFE0 ss:$0x1], $0xffff;
	v61 =	vmul.f32 v25, v26;
	v19 =	vadd.f32 v20, v19  }
0x64: {  	v62 =	vld.idx.msk [tilespmem:v18+s23+$0xFFFFFFE0 ss:$0x1], $0xffff  }
0x65: {  	v63 =	vld.idx.msk [tilespmem:v17+s23+$0xFFFFFFF0 ss:$0x1], $0xffff;
	v28 =	vmul.f32 v57, v58;
	v19 =	vadd.f32 v61, v19  }
0x66: {  	v29 =	vld.idx.msk [tilespmem:v18+s23+$0xFFFFFFF0 ss:$0x1], $0xffff  }
0x67: {  	v30 =	vmul.f32 v27, v59;
	v19 =	vadd.f32 v28, v19;
	_ =	sdelay $0x1  }
0x68: {  	v31 =	vmul.f32 v60, v62;
	v19 =	vadd.f32 v30, v19;
	_ =	sdelay $0x1  }
0x69: {  	v32 =	vmul.f32 v63, v29;
	v19 =	vadd.f32 v31, v19;
	_ =	sdelay $0x1  }
0x6a: {  	v19 =	vadd.f32 v32, v19;
	_ =	sdelay $0x1  }
0x6b: {  	[tilespmem:s23+$0x8400] =	vst v19  }
0x6c: {  	v19 =	vld.idx.msk [tilespmem:v18+s23+$0x0 ss:$0x1], $0xffff  }
0x6d: {  	v33 =	vld.idx.msk [tilespmem:v17+s23+$0x0 ss:$0x1], $0xffff  }
0x6e: {  	v34 =	vld.idx.msk [tilespmem:v17+s23+$0x10 ss:$0x1], $0xffff  }
0x6f: {  	v35 =	vld.idx.msk [tilespmem:v18+s23+$0x10 ss:$0x1], $0xffff  }
0x70: {  	v36 =	vld.idx.msk [tilespmem:v18+s23+$0x20 ss:$0x1], $0xffff  }
0x71: {  	v37 =	vld.idx.msk [tilespmem:v17+s23+$0x20 ss:$0x1], $0xffff  }
0x72: {  	v38 =	vld.idx.msk [tilespmem:v18+s23+$0x30 ss:$0x1], $0xffff  }
0x73: {  	v39 =	vld.idx.msk [tilespmem:v17+s23+$0x30 ss:$0x1], $0xffff  }
0x74: {  	v40 =	vld.idx.msk [tilespmem:v18+s23+$0x40 ss:$0x1], $0xffff;
	v19 =	vmul.f32 v33, v19;
	v21 =	vmul.f32 v34, v35  }
0x75: {  	v41 =	vld.idx.msk [tilespmem:v17+s23+$0x40 ss:$0x1], $0xffff  }
0x76: {  	v42 =	vld.idx.msk [tilespmem:v18+s23+$0x50 ss:$0x1], $0xffff;
	v43 =	vmul.f32 v37, v36;
	v19 =	vadd.f32 v21, v19  }
0x77: {  	v44 =	vld.idx.msk [tilespmem:v17+s23+$0x50 ss:$0x1], $0xffff  }
0x78: {  	v45 =	vld.idx.msk [tilespmem:v18+s23+$0x60 ss:$0x1], $0xffff;
	v46 =	vmul.f32 v39, v38;
	v19 =	vadd.f32 v43, v19  }
0x79: {  	v47 =	vld.idx.msk [tilespmem:v17+s23+$0x60 ss:$0x1], $0xffff  }
0x7a: {  	v18 =	vld.idx.msk [tilespmem:v18+s23+$0x70 ss:$0x1], $0xffff;
	v20 =	vmul.f32 v41, v40;
	v19 =	vadd.f32 v46, v19  }
0x7b: {  	v17 =	vld.idx.msk [tilespmem:v17+s23+$0x70 ss:$0x1], $0xffff  }
0x7c: {  	v48 =	vmul.f32 v44, v42;
	v19 =	vadd.f32 v20, v19;
	_ =	sdelay $0x1  }
0x7d: {  	v49 =	vmul.f32 v47, v45;
	v19 =	vadd.f32 v48, v19;
	_ =	sdelay $0x1  }
0x7e: {  	v17 =	vmul.f32 v17, v18;
	v19 =	vadd.f32 v49, v19;
	_ =	sdelay $0x1  }
0x7f: {  	v17 =	vadd.f32 v17, v19;
	_ =	sdelay $0x1  }
0x80: {  	[tilespmem:s23+$0x8480] =	vst v17  }
0x81: {  	v17 =	vld.idx.msk [tilespmem:v0+s15+$0x0], $0xffff  }
0x82: {  	v18 =	vld.idx.msk [tilespmem:v1+s15+$0x0], $0xffff  }
0x83: {  	v19 =	vld.idx.msk [tilespmem:v2+s15+$0x0], $0xffff  }
0x84: {  	v50 =	vld.idx.msk [tilespmem:v3+s15+$0x0], $0xffff  }
0x85: {  	v51 =	vld.idx.msk [tilespmem:v4+s15+$0x0], $0xffff  }
0x86: {  	v52 =	vld.idx.msk [tilespmem:v5+s15+$0x0], $0xffff  }
0x87: {  	v53 =	vld.idx.msk [tilespmem:v6+s15+$0x0], $0xffff  }
0x88: {  	v54 =	vld.idx.msk [tilespmem:v7+s15+$0x0], $0xffff  }
0x89: {  	v55 =	vld.idx.msk [tilespmem:v8+s15+$0x0], $0xffff  }
0x8a: {  	v56 =	vld.idx.msk [tilespmem:v9+s15+$0x0], $0xffff  }
0x8b: {  	v57 =	vld.idx.msk [tilespmem:v10+s15+$0x0], $0xffff  }
0x8c: {  	v28 =	vld.idx.msk [tilespmem:v11+s15+$0x0], $0xffff  }
0x8d: {  	v29 =	vld.idx.msk [tilespmem:v12+s15+$0x0], $0xffff  }
0x8e: {  	v30 =	vld.idx.msk [tilespmem:v13+s15+$0x0], $0xffff  }
0x8f: {  	v31 =	vld.idx.msk [tilespmem:v14+s15+$0x0], $0xffff  }
0x90: {  	v32 =	vld.idx.msk [tilespmem:v15+s15+$0x0], $0xffff;
	_ =	sdelay $0x1  }
0x91: {  	v17 =	vadd.f32 v18, v17;
	v18 =	vadd.f32 v50, v19  }
0x92: {  	v19 =	vadd.f32 v52, v51;
	v58 =	vadd.f32 v54, v53  }
0x93: {  	v59 =	vadd.f32 v56, v55;
	v60 =	vadd.f32 v28, v57  }
0x94: {  	v61 =	vadd.f32 v30, v29;
	v62 =	vadd.f32 v32, v31  }
0x95: {  	v17 =	vadd.f32 v18, v17;
	v18 =	vadd.f32 v58, v19  }
0x96: {  	s31 =	sshll.u32 s22, $0x4;
	s22 =	sadd.s32 $0x1, s22;
	v19 =	vadd.f32 v60, v59;
	v63 =	vadd.f32 v62, v61  }
0x97: {  	p1 =	seq.s32 s22, $0x4  }
.Ltmp1:
0x98: {  	v17 =	vadd.f32 v18, v17;
	v18 =	vadd.f32 v63, v19;
	(pc) =	sbr.rel @!p1 .LBB2_4-.Ltmp1, $4  }
0x99: {  	_ = 	snop  }
0x9a: {  	v17 =	vadd.f32 v18, v17  }
0x9b: {  	s23 =	sand.u32 $0x3FFFFFF0, s31  }
0x9c: {  	s20 =	sadd.s32 $0x800, s20;
	s21 =	sadd.s32 $0x800, s21;
	[tilespmem:v16+s23+$0x0 ss:$0x1] =	vst.idx.msk $0xffff, v17  }
0x9d: {  	p1 =	seq.s32 s19, $0x8  }
.Ltmp2:
0x9e: {  	_ = 	snop;
	(pc) =	sbr.rel @!p1 .LBB2_3-.Ltmp2, $2  }
0x9f: {  	_ =	sdelay $0x2  }
0xa0: {  	p0 =	por !p0, !p0  }
0xa1: {  	s18 =	sadd.s32 $0x1, s18  }
0xa2: {  	p0 =	sne.s32 s18, s8  }
.Ltmp3:
0xa3: {  	_ = 	snop;
	(pc) =	sbr.rel @p0 .LBB2_1-.Ltmp3, $4  }
0xa4: {  	[hbm4b:s7+s4] =	stream.linear.scatter [tilespmem:s16], [sflag:$0x3], $0x200, $0x38;
	[tilespmem:$0x8E00] =	vst v63  }
0xa5: {  	_ =	swait.ge [sflag:s17], $0x200  }
0xa6: {  	[sflag:s17] =	ssyncset.done $0x0  }
0xa7: {  	[sflag:s17] =	ssyncadd.s32 $0xFFFFFE00  }
0xa8: {  	_ =	sfence.sel $0x180000  }
0xa9: {  	[bflag:$0x0] =	sbarrier.arrive $0xFFFF  }
0xaa: {  	p0 =	sne.s32 s3, $0x0;
	_ =	strace $0x90000047  }
0xab: {  	s0 =	sadd.s32 @!p0 $0x100000, s0;
	[bflag:$0x2] =	sbarrier.arrive $0xFFFF  }
0xac: {  	[sflag:s0] =	ssyncadd.tile.s32 @!p0 $0x1;
	_ =	shalt  }
.Lfunc_end2:
_tile_overlayer_lowered:
.L_overlay_start_2:
0xad: {  	(tag) =	ssettag $0x2  }
0xae: {  	s0 =	rddreg [dreg:$0x0];
	s2 =	stileid.u32  }
0xaf: {  	s1 =	rddreg [dreg:$0x1];
	p0 =	sne.s32 s2, $0x0  }
0xb0: {  	s3 =	rddreg [dreg:$0x2];
	[bflag:$0x3] =	sbarrier.arrive $0xFFFF;
	s2 =	simm.s32 @!p0 $0x1C03  }
0xb1: {  	[timem:s3], [sflag:s2] =	dma.local @!p0 [hbm:s0], s1  }
0xb2: {  	s0 =	simm.s32 @!p0 $0x3  }
0xb3: {  	_ =	swait.ge @!p0 [sflag:s0], s1  }
0xb4: {  	s1 =	ssub.s32 @!p0 $0x0, s1;
	[sflag:s0] =	ssyncset.done @!p0 $0x0  }
0xb5: {  	[sflag:s0] =	ssyncadd.s32 @!p0 s1  }
0xb6: {  	[bflag:$0x3] =	sbarrier.arrive $0xFFFF  }
0xb7: {  	_ =	shalt  }

</sc_bundles>
